<compile_context>
chip_gen: v7x
topology: tpu7x:2x2x1
jax: 0.10.2.dev20260603
libtpu: 0.0.44.dev20260713+nightly
codegen_flags: <defaults>
</compile_context>

<pallas_src>
import functools
import math

import jax
import jax.numpy as jnp
from jax import lax
from jax.experimental import pallas as pl
from jax.experimental.pallas import tpu as pltpu
from jax.experimental.pallas import tpu_sc as plsc

DMODEL = 128
SCALE = math.sqrt(float(DMODEL))

NUM_CORES = 2
NUM_SUBCORES = 16
NUM_WORKERS = NUM_CORES * NUM_SUBCORES

CHUNK = 128
NGBUF = 2
NOBUF = 2
LANES = 16


def _scale_chunk(gbuf, obuf):
    groups = DMODEL // LANES

    @plsc.parallel_loop(0, CHUNK, step=1, unroll=4)
    def row(r):
        for c in range(groups):
            sl = pl.ds(c * LANES, LANES)
            obuf[r, sl] = gbuf[r, sl] * SCALE


def _emb_body(nchunks, idx_hbm, table_hbm, out_hbm, idx_v, *bufs_and_sems):
    gbufs = bufs_and_sems[0:NGBUF]
    obufs = bufs_and_sems[NGBUF:NGBUF + NOBUF]
    gsems = bufs_and_sems[NGBUF + NOBUF:2 * NGBUF + NOBUF]
    osems = bufs_and_sems[2 * NGBUF + NOBUF:2 * NGBUF + 2 * NOBUF]

    c = lax.axis_index("c")
    s = lax.axis_index("s")
    wid = s * NUM_CORES + c
    idx_row0 = wid * nchunks
    out_row0 = idx_row0 * CHUNK

    pltpu.sync_copy(idx_hbm.at[pl.ds(idx_row0, nchunks)], idx_v)

    def fire_gather(j, bg):
        pltpu.async_copy(table_hbm.at[idx_v.at[j]], gbufs[bg], gsems[bg])

    def wait_gather(bg):
        pltpu.make_async_copy(table_hbm.at[idx_v.at[0]], gbufs[bg],
                              gsems[bg]).wait()

    def fire_out(j, bo):
        pltpu.async_copy(obufs[bo],
                         out_hbm.at[pl.ds(out_row0 + j * CHUNK, CHUNK)],
                         osems[bo])

    def wait_out(bo):
        pltpu.make_async_copy(obufs[bo],
                              out_hbm.at[pl.ds(out_row0, CHUNK)],
                              osems[bo]).wait()

    for k in range(NGBUF):
        fire_gather(k, k)

    for k in range(NGBUF):
        wait_gather(k)
        if k >= NOBUF:
            wait_out(k % NOBUF)
        _scale_chunk(gbufs[k], obufs[k % NOBUF])
        fire_out(k, k % NOBUF)
        fire_gather(k + NGBUF, k)

    def round_body(g, carry):
        for k in range(NGBUF):
            j = g * NGBUF + k
            wait_gather(k)
            wait_out(k % NOBUF)
            _scale_chunk(gbufs[k], obufs[k % NOBUF])
            fire_out(j, k % NOBUF)
            fire_gather(j + NGBUF, k)
        return carry

    lax.fori_loop(1, nchunks // NGBUF - 1, round_body, None)

    for k in range(NGBUF):
        j = nchunks - NGBUF + k
        wait_gather(k)
        wait_out(k % NOBUF)
        _scale_chunk(gbufs[k], obufs[k % NOBUF])
        fire_out(j, k % NOBUF)

    for bo in range(NOBUF):
        wait_out(bo)


def kernel(x, table):
    b0, b1 = x.shape
    total = b0 * b1
    nchunks = total // (NUM_WORKERS * CHUNK)
    idx2d = jnp.asarray(x, jnp.int32).reshape(total // CHUNK, CHUNK)

    mesh = plsc.VectorSubcoreMesh(
        core_axis_name="c", subcore_axis_name="s",
        num_cores=NUM_CORES, num_subcores=NUM_SUBCORES)

    run = pl.kernel(
        functools.partial(_emb_body, nchunks),
        out_type=jax.ShapeDtypeStruct((total, DMODEL), jnp.float32),
        mesh=mesh,
        scratch_types=(
            [pltpu.VMEM((nchunks, CHUNK), jnp.int32)]
            + [pltpu.VMEM((CHUNK, DMODEL), jnp.float32)] * (NGBUF + NOBUF)
            + [pltpu.SemaphoreType.DMA] * (NGBUF + NOBUF)
        ),
    )
    out = run(idx2d, table)
    return out.reshape(b0, b1, DMODEL)

# --- scband reference (transcript-rebuilt; emitter-appended) ---
"""Pipeline reference for scband-input-embeddings-block-12841952215675 (READ-ONLY COPY).

The authoritative reference and input builder live on the scoring server;
editing this copy changes nothing except your own understanding.
"""

import math
import jax, jax.numpy as jnp
import numpy as np

DMODEL = 128
VOCAB = 100000


def setup_inputs(seed: int = 0) -> dict:
    key = jax.random.key(seed)
    k1, k2 = jax.random.split(key)
    x = jax.random.randint(k1, (4096, 200), 0, VOCAB, dtype=jnp.int64 if jax.config.jax_enable_x64 else jnp.int32)
    table = jax.random.normal(k2, (VOCAB, DMODEL), dtype=jnp.float32)
    return {"x": x, "table": table}


def reference(x, table):
    # nn.Embedding lookup followed by scaling by sqrt(dmodel)
    emb = jnp.take(table, x, axis=0)
    return emb * math.sqrt(DMODEL)

if __name__ == "__main__":
    import jax
    _d = setup_inputs()
    print(jax.jit(kernel)(*tuple(_d.values())))

</pallas_src>

<mosaic_0001>
#map = affine_map<(d0, d1) -> (0, 0)>
module attributes {stable_mosaic.version = 14 : i64} {
  func.func @_emb_body(%arg0: i32, %arg1: i32, %arg2: memref<6400x128xi32, #tpu.memory_space<hbm>>, %arg3: memref<100000x128xf32, #tpu.memory_space<hbm>>, %arg4: memref<819200x128xf32, #tpu.memory_space<hbm>>, %arg5: memref<200x128xi32, #tpu.memory_space<vmem>>, %arg6: memref<128x128xf32, #tpu.memory_space<vmem>>, %arg7: memref<128x128xf32, #tpu.memory_space<vmem>>, %arg8: memref<128x128xf32, #tpu.memory_space<vmem>>, %arg9: memref<128x128xf32, #tpu.memory_space<vmem>>, %arg10: memref<!tpu.dma_semaphore, #tpu.memory_space<semaphore_mem>>, %arg11: memref<!tpu.dma_semaphore, #tpu.memory_space<semaphore_mem>>, %arg12: memref<!tpu.dma_semaphore, #tpu.memory_space<semaphore_mem>>, %arg13: memref<!tpu.dma_semaphore, #tpu.memory_space<semaphore_mem>>) attributes {dimension_semantics = [#tpu.dimension_semantics<core_parallel>, #tpu.dimension_semantics<subcore_parallel>], iteration_bounds = array<i64: 2, 16>, scalar_prefetch = 0 : i64, scratch_operands = 9 : i64, tpu.core_type = #tpu.core_type<sc_vector_subcore>, window_params = [{transform_indices = #map}, {transform_indices = #map}, {transform_indices = #map}]} {
    %mul3A = arith.constant 2 : i32
    %mul3A_0 = arith.muli %arg1, %mul3A : i32
    %add3A = arith.addi %mul3A_0, %arg0 : i32
    %mul3A_1 = arith.constant 200 : i32
    %mul3A_2 = arith.muli %add3A, %mul3A_1 : i32
    %mul3A_3 = arith.constant 128 : i32
    %mul3A_4 = arith.muli %mul3A_2, %mul3A_3 : i32
    "tpu.region"() ({
      %run_scoped3A = tpu.sem_alloc : memref<!tpu.dma_semaphore, #tpu.memory_space<semaphore_mem>>
      %dma_start3A_114 = arith.constant 0 : i32
      %dma_start3A_115 = tpu.memref_slice %arg2[%mul3A_2, %dma_start3A_114] : memref<6400x128xi32, #tpu.memory_space<hbm>> -> memref<200x128xi32, #tpu.memory_space<hbm>>
      %dma_start3A_116 = arith.constant 0 : i32
      %dma_start3A_117 = tpu.memref_slice %arg2[%mul3A_2, %dma_start3A_116] : memref<6400x128xi32, #tpu.memory_space<hbm>> -> memref<200x128xi32, #tpu.memory_space<hbm>>
      tpu.enqueue_dma source(%dma_start3A_117 : memref<200x128xi32, #tpu.memory_space<hbm>>) target(%arg5 : memref<200x128xi32, #tpu.memory_space<vmem>>) target_semaphore(%run_scoped3A : memref<!tpu.dma_semaphore, #tpu.memory_space<semaphore_mem>>)
      %dma_wait3A_118 = arith.constant 0 : i32
      %dma_wait3A_119 = tpu.memref_slice %arg2[%mul3A_2, %dma_wait3A_118] : memref<6400x128xi32, #tpu.memory_space<hbm>> -> memref<200x128xi32, #tpu.memory_space<hbm>>
      %dma_wait3A_120 = arith.constant 0 : i32
      %dma_wait3A_121 = tpu.memref_slice %arg2[%mul3A_2, %dma_wait3A_120] : memref<6400x128xi32, #tpu.memory_space<hbm>> -> memref<200x128xi32, #tpu.memory_space<hbm>>
      tpu.wait_dma2 semaphore(%run_scoped3A : memref<!tpu.dma_semaphore, #tpu.memory_space<semaphore_mem>>) src(%dma_wait3A_121 : memref<200x128xi32, #tpu.memory_space<hbm>>) dst(%arg5 : memref<200x128xi32, #tpu.memory_space<vmem>>)
      tpu.yield
    }) : () -> ()
    %dma_start3A = arith.constant 0 : i32
    %dma_start3A_5 = arith.constant 0 : i32
    %dma_start3A_6 = tpu.memref_slice %arg5[%dma_start3A, %dma_start3A_5] : memref<200x128xi32, #tpu.memory_space<vmem>> -> memref<1x128xi32, #tpu.memory_space<vmem>>
    %dma_start3A_7 = tpu.memref_squeeze %dma_start3A_6 : memref<1x128xi32, #tpu.memory_space<vmem>> -> memref<128xi32, #tpu.memory_space<vmem>>
    %dma_start3A_8 = arith.constant 0 : i32
    %dma_start3A_9 = arith.constant 0 : i32
    %dma_start3A_10 = tpu.memref_slice %arg3[%dma_start3A_8, %dma_start3A_9] : memref<100000x128xf32, #tpu.memory_space<hbm>> -> memref<100000x128xf32, #tpu.memory_space<hbm>>
    tpu.enqueue_indirect_dma source(%dma_start3A_10 : memref<100000x128xf32, #tpu.memory_space<hbm>>) target(%arg6 : memref<128x128xf32, #tpu.memory_space<vmem>>) offsets(%dma_start3A_7 : memref<128xi32, #tpu.memory_space<vmem>>) semaphore(%arg10 : memref<!tpu.dma_semaphore, #tpu.memory_space<semaphore_mem>>)
    %dma_start3A_11 = arith.constant 1 : i32
    %dma_start3A_12 = arith.constant 0 : i32
    %dma_start3A_13 = tpu.memref_slice %arg5[%dma_start3A_11, %dma_start3A_12] : memref<200x128xi32, #tpu.memory_space<vmem>> -> memref<1x128xi32, #tpu.memory_space<vmem>>
    %dma_start3A_14 = tpu.memref_squeeze %dma_start3A_13 : memref<1x128xi32, #tpu.memory_space<vmem>> -> memref<128xi32, #tpu.memory_space<vmem>>
    %dma_start3A_15 = arith.constant 0 : i32
    %dma_start3A_16 = arith.constant 0 : i32
    %dma_start3A_17 = tpu.memref_slice %arg3[%dma_start3A_15, %dma_start3A_16] : memref<100000x128xf32, #tpu.memory_space<hbm>> -> memref<100000x128xf32, #tpu.memory_space<hbm>>
    tpu.enqueue_indirect_dma source(%dma_start3A_17 : memref<100000x128xf32, #tpu.memory_space<hbm>>) target(%arg7 : memref<128x128xf32, #tpu.memory_space<vmem>>) offsets(%dma_start3A_14 : memref<128xi32, #tpu.memory_space<vmem>>) semaphore(%arg11 : memref<!tpu.dma_semaphore, #tpu.memory_space<semaphore_mem>>)
    %dma_wait3A = arith.constant 0 : i32
    %dma_wait3A_18 = arith.constant 0 : i32
    %dma_wait3A_19 = tpu.memref_slice %arg5[%dma_wait3A, %dma_wait3A_18] : memref<200x128xi32, #tpu.memory_space<vmem>> -> memref<1x128xi32, #tpu.memory_space<vmem>>
    %dma_wait3A_20 = tpu.memref_squeeze %dma_wait3A_19 : memref<1x128xi32, #tpu.memory_space<vmem>> -> memref<128xi32, #tpu.memory_space<vmem>>
    %dma_wait3A_21 = arith.constant 0 : i32
    %dma_wait3A_22 = arith.constant 0 : i32
    %dma_wait3A_23 = tpu.memref_slice %arg3[%dma_wait3A_21, %dma_wait3A_22] : memref<100000x128xf32, #tpu.memory_space<hbm>> -> memref<100000x128xf32, #tpu.memory_space<hbm>>
    tpu.wait_indirect_dma semaphore(%arg10 : memref<!tpu.dma_semaphore, #tpu.memory_space<semaphore_mem>>) src(%dma_wait3A_23 : memref<100000x128xf32, #tpu.memory_space<hbm>>) dst(%arg6 : memref<128x128xf32, #tpu.memory_space<vmem>>)
    %parallel_loop3A = arith.constant 0 : i32
    %parallel_loop3A_24 = arith.constant 128 : i32
    %parallel_loop3A_25 = arith.constant 1 : i32
    scf.for %parallel_loop3A_114 = %parallel_loop3A to %parallel_loop3A_24 step %parallel_loop3A_25  : i32 {
      %parallel_loop3A_115 = arith.index_cast %parallel_loop3A_114 : i32 to index
      %parallel_loop3A_116 = arith.constant 0 : index
      %parallel_loop3A_117 = tpu.vector_load %arg6[%parallel_loop3A_115, %parallel_loop3A_116] {strides = array<i32>} : memref<128x128xf32, #tpu.memory_space<vmem>>, vector<1x16xf32>,
      %parallel_loop3A_118 = vector.shape_cast %parallel_loop3A_117 : vector<1x16xf32> to vector<16xf32>
      %parallel_loop3A_119 = arith.constant 11.3137083 : f32
      %parallel_loop3A_120 = vector.broadcast %parallel_loop3A_119 : f32 to vector<16xf32>
      %parallel_loop3A_121 = arith.mulf %parallel_loop3A_118, %parallel_loop3A_120 : vector<16xf32>
      %parallel_loop3A_122 = arith.index_cast %parallel_loop3A_114 : i32 to index
      %parallel_loop3A_123 = arith.constant 0 : index
      %parallel_loop3A_124 = tpu.vector_load %arg8[%parallel_loop3A_122, %parallel_loop3A_123] {strides = array<i32>} : memref<128x128xf32, #tpu.memory_space<vmem>>, vector<1x16xf32>,
      %parallel_loop3A_125 = vector.shape_cast %parallel_loop3A_124 : vector<1x16xf32> to vector<16xf32>
      %parallel_loop3A_126 = vector.shape_cast %parallel_loop3A_121 : vector<16xf32> to vector<1x16xf32>
      tpu.vector_store %arg8[%parallel_loop3A_122, %parallel_loop3A_123], %parallel_loop3A_126 {strides = array<i32>} : memref<128x128xf32, #tpu.memory_space<vmem>>, vector<1x16xf32>,
      %parallel_loop3A_127 = arith.index_cast %parallel_loop3A_114 : i32 to index
      %parallel_loop3A_128 = arith.constant 16 : index
      %parallel_loop3A_129 = tpu.vector_load %arg6[%parallel_loop3A_127, %parallel_loop3A_128] {strides = array<i32>} : memref<128x128xf32, #tpu.memory_space<vmem>>, vector<1x16xf32>,
      %parallel_loop3A_130 = vector.shape_cast %parallel_loop3A_129 : vector<1x16xf32> to vector<16xf32>
      %parallel_loop3A_131 = arith.constant 11.3137083 : f32
      %parallel_loop3A_132 = vector.broadcast %parallel_loop3A_131 : f32 to vector<16xf32>
      %parallel_loop3A_133 = arith.mulf %parallel_loop3A_130, %parallel_loop3A_132 : vector<16xf32>
      %parallel_loop3A_134 = arith.index_cast %parallel_loop3A_114 : i32 to index
      %parallel_loop3A_135 = arith.constant 16 : index
      %parallel_loop3A_136 = tpu.vector_load %arg8[%parallel_loop3A_134, %parallel_loop3A_135] {strides = array<i32>} : memref<128x128xf32, #tpu.memory_space<vmem>>, vector<1x16xf32>,
      %parallel_loop3A_137 = vector.shape_cast %parallel_loop3A_136 : vector<1x16xf32> to vector<16xf32>
      %parallel_loop3A_138 = vector.shape_cast %parallel_loop3A_133 : vector<16xf32> to vector<1x16xf32>
      tpu.vector_store %arg8[%parallel_loop3A_134, %parallel_loop3A_135], %parallel_loop3A_138 {strides = array<i32>} : memref<128x128xf32, #tpu.memory_space<vmem>>, vector<1x16xf32>,
      %parallel_loop3A_139 = arith.index_cast %parallel_loop3A_114 : i32 to index
      %parallel_loop3A_140 = arith.constant 32 : index
      %parallel_loop3A_141 = tpu.vector_load %arg6[%parallel_loop3A_139, %parallel_loop3A_140] {strides = array<i32>} : memref<128x128xf32, #tpu.memory_space<vmem>>, vector<1x16xf32>,
      %parallel_loop3A_142 = vector.shape_cast %parallel_loop3A_141 : vector<1x16xf32> to vector<16xf32>
      %parallel_loop3A_143 = arith.constant 11.3137083 : f32
      %parallel_loop3A_144 = vector.broadcast %parallel_loop3A_143 : f32 to vector<16xf32>
      %parallel_loop3A_145 = arith.mulf %parallel_loop3A_142, %parallel_loop3A_144 : vector<16xf32>
      %parallel_loop3A_146 = arith.index_cast %parallel_loop3A_114 : i32 to index
      %parallel_loop3A_147 = arith.constant 32 : index
      %parallel_loop3A_148 = tpu.vector_load %arg8[%parallel_loop3A_146, %parallel_loop3A_147] {strides = array<i32>} : memref<128x128xf32, #tpu.memory_space<vmem>>, vector<1x16xf32>,
      %parallel_loop3A_149 = vector.shape_cast %parallel_loop3A_148 : vector<1x16xf32> to vector<16xf32>
      %parallel_loop3A_150 = vector.shape_cast %parallel_loop3A_145 : vector<16xf32> to vector<1x16xf32>
      tpu.vector_store %arg8[%parallel_loop3A_146, %parallel_loop3A_147], %parallel_loop3A_150 {strides = array<i32>} : memref<128x128xf32, #tpu.memory_space<vmem>>, vector<1x16xf32>,
      %parallel_loop3A_151 = arith.index_cast %parallel_loop3A_114 : i32 to index
      %parallel_loop3A_152 = arith.constant 48 : index
      %parallel_loop3A_153 = tpu.vector_load %arg6[%parallel_loop3A_151, %parallel_loop3A_152] {strides = array<i32>} : memref<128x128xf32, #tpu.memory_space<vmem>>, vector<1x16xf32>,
      %parallel_loop3A_154 = vector.shape_cast %parallel_loop3A_153 : vector<1x16xf32> to vector<16xf32>
      %parallel_loop3A_155 = arith.constant 11.3137083 : f32
      %parallel_loop3A_156 = vector.broadcast %parallel_loop3A_155 : f32 to vector<16xf32>
      %parallel_loop3A_157 = arith.mulf %parallel_loop3A_154, %parallel_loop3A_156 : vector<16xf32>
      %parallel_loop3A_158 = arith.index_cast %parallel_loop3A_114 : i32 to index
      %parallel_loop3A_159 = arith.constant 48 : index
      %parallel_loop3A_160 = tpu.vector_load %arg8[%parallel_loop3A_158, %parallel_loop3A_159] {strides = array<i32>} : memref<128x128xf32, #tpu.memory_space<vmem>>, vector<1x16xf32>,
      %parallel_loop3A_161 = vector.shape_cast %parallel_loop3A_160 : vector<1x16xf32> to vector<16xf32>
      %parallel_loop3A_162 = vector.shape_cast %parallel_loop3A_157 : vector<16xf32> to vector<1x16xf32>
      tpu.vector_store %arg8[%parallel_loop3A_158, %parallel_loop3A_159], %parallel_loop3A_162 {strides = array<i32>} : memref<128x128xf32, #tpu.memory_space<vmem>>, vector<1x16xf32>,
      %parallel_loop3A_163 = arith.index_cast %parallel_loop3A_114 : i32 to index
      %parallel_loop3A_164 = arith.constant 64 : index
      %parallel_loop3A_165 = tpu.vector_load %arg6[%parallel_loop3A_163, %parallel_loop3A_164] {strides = array<i32>} : memref<128x128xf32, #tpu.memory_space<vmem>>, vector<1x16xf32>,
      %parallel_loop3A_166 = vector.shape_cast %parallel_loop3A_165 : vector<1x16xf32> to vector<16xf32>
      %parallel_loop3A_167 = arith.constant 11.3137083 : f32
      %parallel_loop3A_168 = vector.broadcast %parallel_loop3A_167 : f32 to vector<16xf32>
      %parallel_loop3A_169 = arith.mulf %parallel_loop3A_166, %parallel_loop3A_168 : vector<16xf32>
      %parallel_loop3A_170 = arith.index_cast %parallel_loop3A_114 : i32 to index
      %parallel_loop3A_171 = arith.constant 64 : index
      %parallel_loop3A_172 = tpu.vector_load %arg8[%parallel_loop3A_170, %parallel_loop3A_171] {strides = array<i32>} : memref<128x128xf32, #tpu.memory_space<vmem>>, vector<1x16xf32>,
      %parallel_loop3A_173 = vector.shape_cast %parallel_loop3A_172 : vector<1x16xf32> to vector<16xf32>
      %parallel_loop3A_174 = vector.shape_cast %parallel_loop3A_169 : vector<16xf32> to vector<1x16xf32>
      tpu.vector_store %arg8[%parallel_loop3A_170, %parallel_loop3A_171], %parallel_loop3A_174 {strides = array<i32>} : memref<128x128xf32, #tpu.memory_space<vmem>>, vector<1x16xf32>,
      %parallel_loop3A_175 = arith.index_cast %parallel_loop3A_114 : i32 to index
      %parallel_loop3A_176 = arith.constant 80 : index
      %parallel_loop3A_177 = tpu.vector_load %arg6[%parallel_loop3A_175, %parallel_loop3A_176] {strides = array<i32>} : memref<128x128xf32, #tpu.memory_space<vmem>>, vector<1x16xf32>,
      %parallel_loop3A_178 = vector.shape_cast %parallel_loop3A_177 : vector<1x16xf32> to vector<16xf32>
      %parallel_loop3A_179 = arith.constant 11.3137083 : f32
      %parallel_loop3A_180 = vector.broadcast %parallel_loop3A_179 : f32 to vector<16xf32>
      %parallel_loop3A_181 = arith.mulf %parallel_loop3A_178, %parallel_loop3A_180 : vector<16xf32>
      %parallel_loop3A_182 = arith.index_cast %parallel_loop3A_114 : i32 to index
      %parallel_loop3A_183 = arith.constant 80 : index
      %parallel_loop3A_184 = tpu.vector_load %arg8[%parallel_loop3A_182, %parallel_loop3A_183] {strides = array<i32>} : memref<128x128xf32, #tpu.memory_space<vmem>>, vector<1x16xf32>,
      %parallel_loop3A_185 = vector.shape_cast %parallel_loop3A_184 : vector<1x16xf32> to vector<16xf32>
      %parallel_loop3A_186 = vector.shape_cast %parallel_loop3A_181 : vector<16xf32> to vector<1x16xf32>
      tpu.vector_store %arg8[%parallel_loop3A_182, %parallel_loop3A_183], %parallel_loop3A_186 {strides = array<i32>} : memref<128x128xf32, #tpu.memory_space<vmem>>, vector<1x16xf32>,
      %parallel_loop3A_187 = arith.index_cast %parallel_loop3A_114 : i32 to index
      %parallel_loop3A_188 = arith.constant 96 : index
      %parallel_loop3A_189 = tpu.vector_load %arg6[%parallel_loop3A_187, %parallel_loop3A_188] {strides = array<i32>} : memref<128x128xf32, #tpu.memory_space<vmem>>, vector<1x16xf32>,
      %parallel_loop3A_190 = vector.shape_cast %parallel_loop3A_189 : vector<1x16xf32> to vector<16xf32>
      %parallel_loop3A_191 = arith.constant 11.3137083 : f32
      %parallel_loop3A_192 = vector.broadcast %parallel_loop3A_191 : f32 to vector<16xf32>
      %parallel_loop3A_193 = arith.mulf %parallel_loop3A_190, %parallel_loop3A_192 : vector<16xf32>
      %parallel_loop3A_194 = arith.index_cast %parallel_loop3A_114 : i32 to index
      %parallel_loop3A_195 = arith.constant 96 : index
      %parallel_loop3A_196 = tpu.vector_load %arg8[%parallel_loop3A_194, %parallel_loop3A_195] {strides = array<i32>} : memref<128x128xf32, #tpu.memory_space<vmem>>, vector<1x16xf32>,
      %parallel_loop3A_197 = vector.shape_cast %parallel_loop3A_196 : vector<1x16xf32> to vector<16xf32>
      %parallel_loop3A_198 = vector.shape_cast %parallel_loop3A_193 : vector<16xf32> to vector<1x16xf32>
      tpu.vector_store %arg8[%parallel_loop3A_194, %parallel_loop3A_195], %parallel_loop3A_198 {strides = array<i32>} : memref<128x128xf32, #tpu.memory_space<vmem>>, vector<1x16xf32>,
      %parallel_loop3A_199 = arith.index_cast %parallel_loop3A_114 : i32 to index
      %parallel_loop3A_200 = arith.constant 112 : index
      %parallel_loop3A_201 = tpu.vector_load %arg6[%parallel_loop3A_199, %parallel_loop3A_200] {strides = array<i32>} : memref<128x128xf32, #tpu.memory_space<vmem>>, vector<1x16xf32>,
      %parallel_loop3A_202 = vector.shape_cast %parallel_loop3A_201 : vector<1x16xf32> to vector<16xf32>
      %parallel_loop3A_203 = arith.constant 11.3137083 : f32
      %parallel_loop3A_204 = vector.broadcast %parallel_loop3A_203 : f32 to vector<16xf32>
      %parallel_loop3A_205 = arith.mulf %parallel_loop3A_202, %parallel_loop3A_204 : vector<16xf32>
      %parallel_loop3A_206 = arith.index_cast %parallel_loop3A_114 : i32 to index
      %parallel_loop3A_207 = arith.constant 112 : index
      %parallel_loop3A_208 = tpu.vector_load %arg8[%parallel_loop3A_206, %parallel_loop3A_207] {strides = array<i32>} : memref<128x128xf32, #tpu.memory_space<vmem>>, vector<1x16xf32>,
      %parallel_loop3A_209 = vector.shape_cast %parallel_loop3A_208 : vector<1x16xf32> to vector<16xf32>
      %parallel_loop3A_210 = vector.shape_cast %parallel_loop3A_205 : vector<16xf32> to vector<1x16xf32>
      tpu.vector_store %arg8[%parallel_loop3A_206, %parallel_loop3A_207], %parallel_loop3A_210 {strides = array<i32>} : memref<128x128xf32, #tpu.memory_space<vmem>>, vector<1x16xf32>,
    } {sc.loop_unroll_factor = 4 : i64, sc.parallel_access}
    %add3A_26 = arith.constant 0 : i32
    %add3A_27 = arith.addi %mul3A_4, %add3A_26 : i32
    %dma_start3A_28 = arith.constant 0 : i32
    %dma_start3A_29 = tpu.memref_slice %arg4[%add3A_27, %dma_start3A_28] : memref<819200x128xf32, #tpu.memory_space<hbm>> -> memref<128x128xf32, #tpu.memory_space<hbm>>
    %dma_start3A_30 = arith.constant 0 : i32
    %dma_start3A_31 = tpu.memref_slice %arg4[%add3A_27, %dma_start3A_30] : memref<819200x128xf32, #tpu.memory_space<hbm>> -> memref<128x128xf32, #tpu.memory_space<hbm>>
    tpu.enqueue_dma source(%arg8 : memref<128x128xf32, #tpu.memory_space<vmem>>) target(%dma_start3A_31 : memref<128x128xf32, #tpu.memory_space<hbm>>) target_semaphore(%arg12 : memref<!tpu.dma_semaphore, #tpu.memory_space<semaphore_mem>>)
    %dma_start3A_32 = arith.constant 2 : i32
    %dma_start3A_33 = arith.constant 0 : i32
    %dma_start3A_34 = tpu.memref_slice %arg5[%dma_start3A_32, %dma_start3A_33] : memref<200x128xi32, #tpu.memory_space<vmem>> -> memref<1x128xi32, #tpu.memory_space<vmem>>
    %dma_start3A_35 = tpu.memref_squeeze %dma_start3A_34 : memref<1x128xi32, #tpu.memory_space<vmem>> -> memref<128xi32, #tpu.memory_space<vmem>>
    %dma_start3A_36 = arith.constant 0 : i32
    %dma_start3A_37 = arith.constant 0 : i32
    %dma_start3A_38 = tpu.memref_slice %arg3[%dma_start3A_36, %dma_start3A_37] : memref<100000x128xf32, #tpu.memory_space<hbm>> -> memref<100000x128xf32, #tpu.memory_space<hbm>>
    tpu.enqueue_indirect_dma source(%dma_start3A_38 : memref<100000x128xf32, #tpu.memory_space<hbm>>) target(%arg6 : memref<128x128xf32, #tpu.memory_space<vmem>>) offsets(%dma_start3A_35 : memref<128xi32, #tpu.memory_space<vmem>>) semaphore(%arg10 : memref<!tpu.dma_semaphore, #tpu.memory_space<semaphore_mem>>)
    %dma_wait3A_39 = arith.constant 0 : i32
    %dma_wait3A_40 = arith.constant 0 : i32
    %dma_wait3A_41 = tpu.memref_slice %arg5[%dma_wait3A_39, %dma_wait3A_40] : memref<200x128xi32, #tpu.memory_space<vmem>> -> memref<1x128xi32, #tpu.memory_space<vmem>>
    %dma_wait3A_42 = tpu.memref_squeeze %dma_wait3A_41 : memref<1x128xi32, #tpu.memory_space<vmem>> -> memref<128xi32, #tpu.memory_space<vmem>>
    %dma_wait3A_43 = arith.constant 0 : i32
    %dma_wait3A_44 = arith.constant 0 : i32
    %dma_wait3A_45 = tpu.memref_slice %arg3[%dma_wait3A_43, %dma_wait3A_44] : memref<100000x128xf32, #tpu.memory_space<hbm>> -> memref<100000x128xf32, #tpu.memory_space<hbm>>
    tpu.wait_indirect_dma semaphore(%arg11 : memref<!tpu.dma_semaphore, #tpu.memory_space<semaphore_mem>>) src(%dma_wait3A_45 : memref<100000x128xf32, #tpu.memory_space<hbm>>) dst(%arg7 : memref<128x128xf32, #tpu.memory_space<vmem>>)
    %parallel_loop3A_46 = arith.constant 0 : i32
    %parallel_loop3A_47 = arith.constant 128 : i32
    %parallel_loop3A_48 = arith.constant 1 : i32
    scf.for %parallel_loop3A_114 = %parallel_loop3A_46 to %parallel_loop3A_47 step %parallel_loop3A_48  : i32 {
      %parallel_loop3A_115 = arith.index_cast %parallel_loop3A_114 : i32 to index
      %parallel_loop3A_116 = arith.constant 0 : index
      %parallel_loop3A_117 = tpu.vector_load %arg7[%parallel_loop3A_115, %parallel_loop3A_116] {strides = array<i32>} : memref<128x128xf32, #tpu.memory_space<vmem>>, vector<1x16xf32>,
      %parallel_loop3A_118 = vector.shape_cast %parallel_loop3A_117 : vector<1x16xf32> to vector<16xf32>
      %parallel_loop3A_119 = arith.constant 11.3137083 : f32
      %parallel_loop3A_120 = vector.broadcast %parallel_loop3A_119 : f32 to vector<16xf32>
      %parallel_loop3A_121 = arith.mulf %parallel_loop3A_118, %parallel_loop3A_120 : vector<16xf32>
      %parallel_loop3A_122 = arith.index_cast %parallel_loop3A_114 : i32 to index
      %parallel_loop3A_123 = arith.constant 0 : index
      %parallel_loop3A_124 = tpu.vector_load %arg9[%parallel_loop3A_122, %parallel_loop3A_123] {strides = array<i32>} : memref<128x128xf32, #tpu.memory_space<vmem>>, vector<1x16xf32>,
      %parallel_loop3A_125 = vector.shape_cast %parallel_loop3A_124 : vector<1x16xf32> to vector<16xf32>
      %parallel_loop3A_126 = vector.shape_cast %parallel_loop3A_121 : vector<16xf32> to vector<1x16xf32>
      tpu.vector_store %arg9[%parallel_loop3A_122, %parallel_loop3A_123], %parallel_loop3A_126 {strides = array<i32>} : memref<128x128xf32, #tpu.memory_space<vmem>>, vector<1x16xf32>,
      %parallel_loop3A_127 = arith.index_cast %parallel_loop3A_114 : i32 to index
      %parallel_loop3A_128 = arith.constant 16 : index
      %parallel_loop3A_129 = tpu.vector_load %arg7[%parallel_loop3A_127, %parallel_loop3A_128] {strides = array<i32>} : memref<128x128xf32, #tpu.memory_space<vmem>>, vector<1x16xf32>,
      %parallel_loop3A_130 = vector.shape_cast %parallel_loop3A_129 : vector<1x16xf32> to vector<16xf32>
      %parallel_loop3A_131 = arith.constant 11.3137083 : f32
      %parallel_loop3A_132 = vector.broadcast %parallel_loop3A_131 : f32 to vector<16xf32>
      %parallel_loop3A_133 = arith.mulf %parallel_loop3A_130, %parallel_loop3A_132 : vector<16xf32>
      %parallel_loop3A_134 = arith.index_cast %parallel_loop3A_114 : i32 to index
      %parallel_loop3A_135 = arith.constant 16 : index
      %parallel_loop3A_136 = tpu.vector_load %arg9[%parallel_loop3A_134, %parallel_loop3A_135] {strides = array<i32>} : memref<128x128xf32, #tpu.memory_space<vmem>>, vector<1x16xf32>,
      %parallel_loop3A_137 = vector.shape_cast %parallel_loop3A_136 : vector<1x16xf32> to vector<16xf32>
      %parallel_loop3A_138 = vector.shape_cast %parallel_loop3A_133 : vector<16xf32> to vector<1x16xf32>
      tpu.vector_store %arg9[%parallel_loop3A_134, %parallel_loop3A_135], %parallel_loop3A_138 {strides = array<i32>} : memref<128x128xf32, #tpu.memory_space<vmem>>, vector<1x16xf32>,
      %parallel_loop3A_139 = arith.index_cast %parallel_loop3A_114 : i32 to index
      %parallel_loop3A_140 = arith.constant 32 : index
      %parallel_loop3A_141 = tpu.vector_load %arg7[%parallel_loop3A_139, %parallel_loop3A_140] {strides = array<i32>} : memref<128x128xf32, #tpu.memory_space<vmem>>, vector<1x16xf32>,
      %parallel_loop3A_142 = vector.shape_cast %parallel_loop3A_141 : vector<1x16xf32> to vector<16xf32>
      %parallel_loop3A_143 = arith.constant 11.3137083 : f32
      %parallel_loop3A_144 = vector.broadcast %parallel_loop3A_143 : f32 to vector<16xf32>
      %parallel_loop3A_145 = arith.mulf %parallel_loop3A_142, %parallel_loop3A_144 : vector<16xf32>
      %parallel_loop3A_146 = arith.index_cast %parallel_loop3A_114 : i32 to index
      %parallel_loop3A_147 = arith.constant 32 : index
      %parallel_loop3A_148 = tpu.vector_load %arg9[%parallel_loop3A_146, %parallel_loop3A_147] {strides = array<i32>} : memref<128x128xf32, #tpu.memory_space<vmem>>, vector<1x16xf32>,
      %parallel_loop3A_149 = vector.shape_cast %parallel_loop3A_148 : vector<1x16xf32> to vector<16xf32>
      %parallel_loop3A_150 = vector.shape_cast %parallel_loop3A_145 : vector<16xf32> to vector<1x16xf32>
      tpu.vector_store %arg9[%parallel_loop3A_146, %parallel_loop3A_147], %parallel_loop3A_150 {strides = array<i32>} : memref<128x128xf32, #tpu.memory_space<vmem>>, vector<1x16xf32>,
      %parallel_loop3A_151 = arith.index_cast %parallel_loop3A_114 : i32 to index
      %parallel_loop3A_152 = arith.constant 48 : index
      %parallel_loop3A_153 = tpu.vector_load %arg7[%parallel_loop3A_151, %parallel_loop3A_152] {strides = array<i32>} : memref<128x128xf32, #tpu.memory_space<vmem>>, vector<1x16xf32>,
      %parallel_loop3A_154 = vector.shape_cast %parallel_loop3A_153 : vector<1x16xf32> to vector<16xf32>
      %parallel_loop3A_155 = arith.constant 11.3137083 : f32
      %parallel_loop3A_156 = vector.broadcast %parallel_loop3A_155 : f32 to vector<16xf32>
      %parallel_loop3A_157 = arith.mulf %parallel_loop3A_154, %parallel_loop3A_156 : vector<16xf32>
      %parallel_loop3A_158 = arith.index_cast %parallel_loop3A_114 : i32 to index
      %parallel_loop3A_159 = arith.constant 48 : index
      %parallel_loop3A_160 = tpu.vector_load %arg9[%parallel_loop3A_158, %parallel_loop3A_159] {strides = array<i32>} : memref<128x128xf32, #tpu.memory_space<vmem>>, vector<1x16xf32>,
      %parallel_loop3A_161 = vector.shape_cast %parallel_loop3A_160 : vector<1x16xf32> to vector<16xf32>
      %parallel_loop3A_162 = vector.shape_cast %parallel_loop3A_157 : vector<16xf32> to vector<1x16xf32>
      tpu.vector_store %arg9[%parallel_loop3A_158, %parallel_loop3A_159], %parallel_loop3A_162 {strides = array<i32>} : memref<128x128xf32, #tpu.memory_space<vmem>>, vector<1x16xf32>,
      %parallel_loop3A_163 = arith.index_cast %parallel_loop3A_114 : i32 to index
      %parallel_loop3A_164 = arith.constant 64 : index
      %parallel_loop3A_165 = tpu.vector_load %arg7[%parallel_loop3A_163, %parallel_loop3A_164] {strides = array<i32>} : memref<128x128xf32, #tpu.memory_space<vmem>>, vector<1x16xf32>,
      %parallel_loop3A_166 = vector.shape_cast %parallel_loop3A_165 : vector<1x16xf32> to vector<16xf32>
      %parallel_loop3A_167 = arith.constant 11.3137083 : f32
      %parallel_loop3A_168 = vector.broadcast %parallel_loop3A_167 : f32 to vector<16xf32>
      %parallel_loop3A_169 = arith.mulf %parallel_loop3A_166, %parallel_loop3A_168 : vector<16xf32>
      %parallel_loop3A_170 = arith.index_cast %parallel_loop3A_114 : i32 to index
      %parallel_loop3A_171 = arith.constant 64 : index
      %parallel_loop3A_172 = tpu.vector_load %arg9[%parallel_loop3A_170, %parallel_loop3A_171] {strides = array<i32>} : memref<128x128xf32, #tpu.memory_space<vmem>>, vector<1x16xf32>,
      %parallel_loop3A_173 = vector.shape_cast %parallel_loop3A_172 : vector<1x16xf32> to vector<16xf32>
      %parallel_loop3A_174 = vector.shape_cast %parallel_loop3A_169 : vector<16xf32> to vector<1x16xf32>
      tpu.vector_store %arg9[%parallel_loop3A_170, %parallel_loop3A_171], %parallel_loop3A_174 {strides = array<i32>} : memref<128x128xf32, #tpu.memory_space<vmem>>, vector<1x16xf32>,
      %parallel_loop3A_175 = arith.index_cast %parallel_loop3A_114 : i32 to index
      %parallel_loop3A_176 = arith.constant 80 : index
      %parallel_loop3A_177 = tpu.vector_load %arg7[%parallel_loop3A_175, %parallel_loop3A_176] {strides = array<i32>} : memref<128x128xf32, #tpu.memory_space<vmem>>, vector<1x16xf32>,
      %parallel_loop3A_178 = vector.shape_cast %parallel_loop3A_177 : vector<1x16xf32> to vector<16xf32>
      %parallel_loop3A_179 = arith.constant 11.3137083 : f32
      %parallel_loop3A_180 = vector.broadcast %parallel_loop3A_179 : f32 to vector<16xf32>
      %parallel_loop3A_181 = arith.mulf %parallel_loop3A_178, %parallel_loop3A_180 : vector<16xf32>
      %parallel_loop3A_182 = arith.index_cast %parallel_loop3A_114 : i32 to index
      %parallel_loop3A_183 = arith.constant 80 : index
      %parallel_loop3A_184 = tpu.vector_load %arg9[%parallel_loop3A_182, %parallel_loop3A_183] {strides = array<i32>} : memref<128x128xf32, #tpu.memory_space<vmem>>, vector<1x16xf32>,
      %parallel_loop3A_185 = vector.shape_cast %parallel_loop3A_184 : vector<1x16xf32> to vector<16xf32>
      %parallel_loop3A_186 = vector.shape_cast %parallel_loop3A_181 : vector<16xf32> to vector<1x16xf32>
      tpu.vector_store %arg9[%parallel_loop3A_182, %parallel_loop3A_183], %parallel_loop3A_186 {strides = array<i32>} : memref<128x128xf32, #tpu.memory_space<vmem>>, vector<1x16xf32>,
      %parallel_loop3A_187 = arith.index_cast %parallel_loop3A_114 : i32 to index
      %parallel_loop3A_188 = arith.constant 96 : index
      %parallel_loop3A_189 = tpu.vector_load %arg7[%parallel_loop3A_187, %parallel_loop3A_188] {strides = array<i32>} : memref<128x128xf32, #tpu.memory_space<vmem>>, vector<1x16xf32>,
      %parallel_loop3A_190 = vector.shape_cast %parallel_loop3A_189 : vector<1x16xf32> to vector<16xf32>
      %parallel_loop3A_191 = arith.constant 11.3137083 : f32
      %parallel_loop3A_192 = vector.broadcast %parallel_loop3A_191 : f32 to vector<16xf32>
      %parallel_loop3A_193 = arith.mulf %parallel_loop3A_190, %parallel_loop3A_192 : vector<16xf32>
      %parallel_loop3A_194 = arith.index_cast %parallel_loop3A_114 : i32 to index
      %parallel_loop3A_195 = arith.constant 96 : index
      %parallel_loop3A_196 = tpu.vector_load %arg9[%parallel_loop3A_194, %parallel_loop3A_195] {strides = array<i32>} : memref<128x128xf32, #tpu.memory_space<vmem>>, vector<1x16xf32>,
      %parallel_loop3A_197 = vector.shape_cast %parallel_loop3A_196 : vector<1x16xf32> to vector<16xf32>
      %parallel_loop3A_198 = vector.shape_cast %parallel_loop3A_193 : vector<16xf32> to vector<1x16xf32>
      tpu.vector_store %arg9[%parallel_loop3A_194, %parallel_loop3A_195], %parallel_loop3A_198 {strides = array<i32>} : memref<128x128xf32, #tpu.memory_space<vmem>>, vector<1x16xf32>,
      %parallel_loop3A_199 = arith.index_cast %parallel_loop3A_114 : i32 to index
      %parallel_loop3A_200 = arith.constant 112 : index
      %parallel_loop3A_201 = tpu.vector_load %arg7[%parallel_loop3A_199, %parallel_loop3A_200] {strides = array<i32>} : memref<128x128xf32, #tpu.memory_space<vmem>>, vector<1x16xf32>,
      %parallel_loop3A_202 = vector.shape_cast %parallel_loop3A_201 : vector<1x16xf32> to vector<16xf32>
      %parallel_loop3A_203 = arith.constant 11.3137083 : f32
      %parallel_loop3A_204 = vector.broadcast %parallel_loop3A_203 : f32 to vector<16xf32>
      %parallel_loop3A_205 = arith.mulf %parallel_loop3A_202, %parallel_loop3A_204 : vector<16xf32>
      %parallel_loop3A_206 = arith.index_cast %parallel_loop3A_114 : i32 to index
      %parallel_loop3A_207 = arith.constant 112 : index
      %parallel_loop3A_208 = tpu.vector_load %arg9[%parallel_loop3A_206, %parallel_loop3A_207] {strides = array<i32>} : memref<128x128xf32, #tpu.memory_space<vmem>>, vector<1x16xf32>,
      %parallel_loop3A_209 = vector.shape_cast %parallel_loop3A_208 : vector<1x16xf32> to vector<16xf32>
      %parallel_loop3A_210 = vector.shape_cast %parallel_loop3A_205 : vector<16xf32> to vector<1x16xf32>
      tpu.vector_store %arg9[%parallel_loop3A_206, %parallel_loop3A_207], %parallel_loop3A_210 {strides = array<i32>} : memref<128x128xf32, #tpu.memory_space<vmem>>, vector<1x16xf32>,
    } {sc.loop_unroll_factor = 4 : i64, sc.parallel_access}
    %add3A_49 = arith.constant 128 : i32
    %add3A_50 = arith.addi %mul3A_4, %add3A_49 : i32
    %dma_start3A_51 = arith.constant 0 : i32
    %dma_start3A_52 = tpu.memref_slice %arg4[%add3A_50, %dma_start3A_51] : memref<819200x128xf32, #tpu.memory_space<hbm>> -> memref<128x128xf32, #tpu.memory_space<hbm>>
    %dma_start3A_53 = arith.constant 0 : i32
    %dma_start3A_54 = tpu.memref_slice %arg4[%add3A_50, %dma_start3A_53] : memref<819200x128xf32, #tpu.memory_space<hbm>> -> memref<128x128xf32, #tpu.memory_space<hbm>>
    tpu.enqueue_dma source(%arg9 : memref<128x128xf32, #tpu.memory_space<vmem>>) target(%dma_start3A_54 : memref<128x128xf32, #tpu.memory_space<hbm>>) target_semaphore(%arg13 : memref<!tpu.dma_semaphore, #tpu.memory_space<semaphore_mem>>)
    %dma_start3A_55 = arith.constant 3 : i32
    %dma_start3A_56 = arith.constant 0 : i32
    %dma_start3A_57 = tpu.memref_slice %arg5[%dma_start3A_55, %dma_start3A_56] : memref<200x128xi32, #tpu.memory_space<vmem>> -> memref<1x128xi32, #tpu.memory_space<vmem>>
    %dma_start3A_58 = tpu.memref_squeeze %dma_start3A_57 : memref<1x128xi32, #tpu.memory_space<vmem>> -> memref<128xi32, #tpu.memory_space<vmem>>
    %dma_start3A_59 = arith.constant 0 : i32
    %dma_start3A_60 = arith.constant 0 : i32
    %dma_start3A_61 = tpu.memref_slice %arg3[%dma_start3A_59, %dma_start3A_60] : memref<100000x128xf32, #tpu.memory_space<hbm>> -> memref<100000x128xf32, #tpu.memory_space<hbm>>
    tpu.enqueue_indirect_dma source(%dma_start3A_61 : memref<100000x128xf32, #tpu.memory_space<hbm>>) target(%arg7 : memref<128x128xf32, #tpu.memory_space<vmem>>) offsets(%dma_start3A_58 : memref<128xi32, #tpu.memory_space<vmem>>) semaphore(%arg11 : memref<!tpu.dma_semaphore, #tpu.memory_space<semaphore_mem>>)
    %scan3A = arith.constant 1 : i32
    %scan3A_62 = arith.constant 98 : i32
    %scan3A_63 = arith.addi %scan3A, %scan3A_62 : i32
    %scan3A_64 = arith.constant 1 : i32
    scf.for %scan3A_114 = %scan3A to %scan3A_63 step %scan3A_64  : i32 {
      %mul3A_115 = arith.constant 2 : i32
      %mul3A_116 = arith.muli %scan3A_114, %mul3A_115 : i32
      %add3A_117 = arith.constant 0 : i32
      %add3A_118 = arith.addi %mul3A_116, %add3A_117 : i32
      %dma_wait3A_119 = arith.constant 0 : i32
      %dma_wait3A_120 = arith.constant 0 : i32
      %dma_wait3A_121 = tpu.memref_slice %arg5[%dma_wait3A_119, %dma_wait3A_120] : memref<200x128xi32, #tpu.memory_space<vmem>> -> memref<1x128xi32, #tpu.memory_space<vmem>>
      %dma_wait3A_122 = tpu.memref_squeeze %dma_wait3A_121 : memref<1x128xi32, #tpu.memory_space<vmem>> -> memref<128xi32, #tpu.memory_space<vmem>>
      %dma_wait3A_123 = arith.constant 0 : i32
      %dma_wait3A_124 = arith.constant 0 : i32
      %dma_wait3A_125 = tpu.memref_slice %arg3[%dma_wait3A_123, %dma_wait3A_124] : memref<100000x128xf32, #tpu.memory_space<hbm>> -> memref<100000x128xf32, #tpu.memory_space<hbm>>
      tpu.wait_indirect_dma semaphore(%arg10 : memref<!tpu.dma_semaphore, #tpu.memory_space<semaphore_mem>>) src(%dma_wait3A_125 : memref<100000x128xf32, #tpu.memory_space<hbm>>) dst(%arg6 : memref<128x128xf32, #tpu.memory_space<vmem>>)
      %dma_wait3A_126 = arith.constant 0 : i32
      %dma_wait3A_127 = tpu.memref_slice %arg4[%mul3A_4, %dma_wait3A_126] : memref<819200x128xf32, #tpu.memory_space<hbm>> -> memref<128x128xf32, #tpu.memory_space<hbm>>
      %dma_wait3A_128 = arith.constant 0 : i32
      %dma_wait3A_129 = tpu.memref_slice %arg4[%mul3A_4, %dma_wait3A_128] : memref<819200x128xf32, #tpu.memory_space<hbm>> -> memref<128x128xf32, #tpu.memory_space<hbm>>
      tpu.wait_dma2 semaphore(%arg12 : memref<!tpu.dma_semaphore, #tpu.memory_space<semaphore_mem>>) src(%arg8 : memref<128x128xf32, #tpu.memory_space<vmem>>) dst(%dma_wait3A_129 : memref<128x128xf32, #tpu.memory_space<hbm>>)
      %parallel_loop3A_130 = arith.constant 0 : i32
      %parallel_loop3A_131 = arith.constant 128 : i32
      %parallel_loop3A_132 = arith.constant 1 : i32
      scf.for %parallel_loop3A_181 = %parallel_loop3A_130 to %parallel_loop3A_131 step %parallel_loop3A_132  : i32 {
        %parallel_loop3A_182 = arith.index_cast %parallel_loop3A_181 : i32 to index
        %parallel_loop3A_183 = arith.constant 0 : index
        %parallel_loop3A_184 = tpu.vector_load %arg6[%parallel_loop3A_182, %parallel_loop3A_183] {strides = array<i32>} : memref<128x128xf32, #tpu.memory_space<vmem>>, vector<1x16xf32>,
        %parallel_loop3A_185 = vector.shape_cast %parallel_loop3A_184 : vector<1x16xf32> to vector<16xf32>
        %parallel_loop3A_186 = arith.constant 11.3137083 : f32
        %parallel_loop3A_187 = vector.broadcast %parallel_loop3A_186 : f32 to vector<16xf32>
        %parallel_loop3A_188 = arith.mulf %parallel_loop3A_185, %parallel_loop3A_187 : vector<16xf32>
        %parallel_loop3A_189 = arith.index_cast %parallel_loop3A_181 : i32 to index
        %parallel_loop3A_190 = arith.constant 0 : index
        %parallel_loop3A_191 = tpu.vector_load %arg8[%parallel_loop3A_189, %parallel_loop3A_190] {strides = array<i32>} : memref<128x128xf32, #tpu.memory_space<vmem>>, vector<1x16xf32>,
        %parallel_loop3A_192 = vector.shape_cast %parallel_loop3A_191 : vector<1x16xf32> to vector<16xf32>
        %parallel_loop3A_193 = vector.shape_cast %parallel_loop3A_188 : vector<16xf32> to vector<1x16xf32>
        tpu.vector_store %arg8[%parallel_loop3A_189, %parallel_loop3A_190], %parallel_loop3A_193 {strides = array<i32>} : memref<128x128xf32, #tpu.memory_space<vmem>>, vector<1x16xf32>,
        %parallel_loop3A_194 = arith.index_cast %parallel_loop3A_181 : i32 to index
        %parallel_loop3A_195 = arith.constant 16 : index
        %parallel_loop3A_196 = tpu.vector_load %arg6[%parallel_loop3A_194, %parallel_loop3A_195] {strides = array<i32>} : memref<128x128xf32, #tpu.memory_space<vmem>>, vector<1x16xf32>,
        %parallel_loop3A_197 = vector.shape_cast %parallel_loop3A_196 : vector<1x16xf32> to vector<16xf32>
        %parallel_loop3A_198 = arith.constant 11.3137083 : f32
        %parallel_loop3A_199 = vector.broadcast %parallel_loop3A_198 : f32 to vector<16xf32>
        %parallel_loop3A_200 = arith.mulf %parallel_loop3A_197, %parallel_loop3A_199 : vector<16xf32>
        %parallel_loop3A_201 = arith.index_cast %parallel_loop3A_181 : i32 to index
        %parallel_loop3A_202 = arith.constant 16 : index
        %parallel_loop3A_203 = tpu.vector_load %arg8[%parallel_loop3A_201, %parallel_loop3A_202] {strides = array<i32>} : memref<128x128xf32, #tpu.memory_space<vmem>>, vector<1x16xf32>,
        %parallel_loop3A_204 = vector.shape_cast %parallel_loop3A_203 : vector<1x16xf32> to vector<16xf32>
        %parallel_loop3A_205 = vector.shape_cast %parallel_loop3A_200 : vector<16xf32> to vector<1x16xf32>
        tpu.vector_store %arg8[%parallel_loop3A_201, %parallel_loop3A_202], %parallel_loop3A_205 {strides = array<i32>} : memref<128x128xf32, #tpu.memory_space<vmem>>, vector<1x16xf32>,
        %parallel_loop3A_206 = arith.index_cast %parallel_loop3A_181 : i32 to index
        %parallel_loop3A_207 = arith.constant 32 : index
        %parallel_loop3A_208 = tpu.vector_load %arg6[%parallel_loop3A_206, %parallel_loop3A_207] {strides = array<i32>} : memref<128x128xf32, #tpu.memory_space<vmem>>, vector<1x16xf32>,
        %parallel_loop3A_209 = vector.shape_cast %parallel_loop3A_208 : vector<1x16xf32> to vector<16xf32>
        %parallel_loop3A_210 = arith.constant 11.3137083 : f32
        %parallel_loop3A_211 = vector.broadcast %parallel_loop3A_210 : f32 to vector<16xf32>
        %parallel_loop3A_212 = arith.mulf %parallel_loop3A_209, %parallel_loop3A_211 : vector<16xf32>
        %parallel_loop3A_213 = arith.index_cast %parallel_loop3A_181 : i32 to index
        %parallel_loop3A_214 = arith.constant 32 : index
        %parallel_loop3A_215 = tpu.vector_load %arg8[%parallel_loop3A_213, %parallel_loop3A_214] {strides = array<i32>} : memref<128x128xf32, #tpu.memory_space<vmem>>, vector<1x16xf32>,
        %parallel_loop3A_216 = vector.shape_cast %parallel_loop3A_215 : vector<1x16xf32> to vector<16xf32>
        %parallel_loop3A_217 = vector.shape_cast %parallel_loop3A_212 : vector<16xf32> to vector<1x16xf32>
        tpu.vector_store %arg8[%parallel_loop3A_213, %parallel_loop3A_214], %parallel_loop3A_217 {strides = array<i32>} : memref<128x128xf32, #tpu.memory_space<vmem>>, vector<1x16xf32>,
        %parallel_loop3A_218 = arith.index_cast %parallel_loop3A_181 : i32 to index
        %parallel_loop3A_219 = arith.constant 48 : index
        %parallel_loop3A_220 = tpu.vector_load %arg6[%parallel_loop3A_218, %parallel_loop3A_219] {strides = array<i32>} : memref<128x128xf32, #tpu.memory_space<vmem>>, vector<1x16xf32>,
        %parallel_loop3A_221 = vector.shape_cast %parallel_loop3A_220 : vector<1x16xf32> to vector<16xf32>
        %parallel_loop3A_222 = arith.constant 11.3137083 : f32
        %parallel_loop3A_223 = vector.broadcast %parallel_loop3A_222 : f32 to vector<16xf32>
        %parallel_loop3A_224 = arith.mulf %parallel_loop3A_221, %parallel_loop3A_223 : vector<16xf32>
        %parallel_loop3A_225 = arith.index_cast %parallel_loop3A_181 : i32 to index
        %parallel_loop3A_226 = arith.constant 48 : index
        %parallel_loop3A_227 = tpu.vector_load %arg8[%parallel_loop3A_225, %parallel_loop3A_226] {strides = array<i32>} : memref<128x128xf32, #tpu.memory_space<vmem>>, vector<1x16xf32>,
        %parallel_loop3A_228 = vector.shape_cast %parallel_loop3A_227 : vector<1x16xf32> to vector<16xf32>
        %parallel_loop3A_229 = vector.shape_cast %parallel_loop3A_224 : vector<16xf32> to vector<1x16xf32>
        tpu.vector_store %arg8[%parallel_loop3A_225, %parallel_loop3A_226], %parallel_loop3A_229 {strides = array<i32>} : memref<128x128xf32, #tpu.memory_space<vmem>>, vector<1x16xf32>,
        %parallel_loop3A_230 = arith.index_cast %parallel_loop3A_181 : i32 to index
        %parallel_loop3A_231 = arith.constant 64 : index
        %parallel_loop3A_232 = tpu.vector_load %arg6[%parallel_loop3A_230, %parallel_loop3A_231] {strides = array<i32>} : memref<128x128xf32, #tpu.memory_space<vmem>>, vector<1x16xf32>,
        %parallel_loop3A_233 = vector.shape_cast %parallel_loop3A_232 : vector<1x16xf32> to vector<16xf32>
        %parallel_loop3A_234 = arith.constant 11.3137083 : f32
        %parallel_loop3A_235 = vector.broadcast %parallel_loop3A_234 : f32 to vector<16xf32>
        %parallel_loop3A_236 = arith.mulf %parallel_loop3A_233, %parallel_loop3A_235 : vector<16xf32>
        %parallel_loop3A_237 = arith.index_cast %parallel_loop3A_181 : i32 to index
        %parallel_loop3A_238 = arith.constant 64 : index
        %parallel_loop3A_239 = tpu.vector_load %arg8[%parallel_loop3A_237, %parallel_loop3A_238] {strides = array<i32>} : memref<128x128xf32, #tpu.memory_space<vmem>>, vector<1x16xf32>,
        %parallel_loop3A_240 = vector.shape_cast %parallel_loop3A_239 : vector<1x16xf32> to vector<16xf32>
        %parallel_loop3A_241 = vector.shape_cast %parallel_loop3A_236 : vector<16xf32> to vector<1x16xf32>
        tpu.vector_store %arg8[%parallel_loop3A_237, %parallel_loop3A_238], %parallel_loop3A_241 {strides = array<i32>} : memref<128x128xf32, #tpu.memory_space<vmem>>, vector<1x16xf32>,
        %parallel_loop3A_242 = arith.index_cast %parallel_loop3A_181 : i32 to index
        %parallel_loop3A_243 = arith.constant 80 : index
        %parallel_loop3A_244 = tpu.vector_load %arg6[%parallel_loop3A_242, %parallel_loop3A_243] {strides = array<i32>} : memref<128x128xf32, #tpu.memory_space<vmem>>, vector<1x16xf32>,
        %parallel_loop3A_245 = vector.shape_cast %parallel_loop3A_244 : vector<1x16xf32> to vector<16xf32>
        %parallel_loop3A_246 = arith.constant 11.3137083 : f32
        %parallel_loop3A_247 = vector.broadcast %parallel_loop3A_246 : f32 to vector<16xf32>
        %parallel_loop3A_248 = arith.mulf %parallel_loop3A_245, %parallel_loop3A_247 : vector<16xf32>
        %parallel_loop3A_249 = arith.index_cast %parallel_loop3A_181 : i32 to index
        %parallel_loop3A_250 = arith.constant 80 : index
        %parallel_loop3A_251 = tpu.vector_load %arg8[%parallel_loop3A_249, %parallel_loop3A_250] {strides = array<i32>} : memref<128x128xf32, #tpu.memory_space<vmem>>, vector<1x16xf32>,
        %parallel_loop3A_252 = vector.shape_cast %parallel_loop3A_251 : vector<1x16xf32> to vector<16xf32>
        %parallel_loop3A_253 = vector.shape_cast %parallel_loop3A_248 : vector<16xf32> to vector<1x16xf32>
        tpu.vector_store %arg8[%parallel_loop3A_249, %parallel_loop3A_250], %parallel_loop3A_253 {strides = array<i32>} : memref<128x128xf32, #tpu.memory_space<vmem>>, vector<1x16xf32>,
        %parallel_loop3A_254 = arith.index_cast %parallel_loop3A_181 : i32 to index
        %parallel_loop3A_255 = arith.constant 96 : index
        %parallel_loop3A_256 = tpu.vector_load %arg6[%parallel_loop3A_254, %parallel_loop3A_255] {strides = array<i32>} : memref<128x128xf32, #tpu.memory_space<vmem>>, vector<1x16xf32>,
        %parallel_loop3A_257 = vector.shape_cast %parallel_loop3A_256 : vector<1x16xf32> to vector<16xf32>
        %parallel_loop3A_258 = arith.constant 11.3137083 : f32
        %parallel_loop3A_259 = vector.broadcast %parallel_loop3A_258 : f32 to vector<16xf32>
        %parallel_loop3A_260 = arith.mulf %parallel_loop3A_257, %parallel_loop3A_259 : vector<16xf32>
        %parallel_loop3A_261 = arith.index_cast %parallel_loop3A_181 : i32 to index
        %parallel_loop3A_262 = arith.constant 96 : index
        %parallel_loop3A_263 = tpu.vector_load %arg8[%parallel_loop3A_261, %parallel_loop3A_262] {strides = array<i32>} : memref<128x128xf32, #tpu.memory_space<vmem>>, vector<1x16xf32>,
        %parallel_loop3A_264 = vector.shape_cast %parallel_loop3A_263 : vector<1x16xf32> to vector<16xf32>
        %parallel_loop3A_265 = vector.shape_cast %parallel_loop3A_260 : vector<16xf32> to vector<1x16xf32>
        tpu.vector_store %arg8[%parallel_loop3A_261, %parallel_loop3A_262], %parallel_loop3A_265 {strides = array<i32>} : memref<128x128xf32, #tpu.memory_space<vmem>>, vector<1x16xf32>,
        %parallel_loop3A_266 = arith.index_cast %parallel_loop3A_181 : i32 to index
        %parallel_loop3A_267 = arith.constant 112 : index
        %parallel_loop3A_268 = tpu.vector_load %arg6[%parallel_loop3A_266, %parallel_loop3A_267] {strides = array<i32>} : memref<128x128xf32, #tpu.memory_space<vmem>>, vector<1x16xf32>,
        %parallel_loop3A_269 = vector.shape_cast %parallel_loop3A_268 : vector<1x16xf32> to vector<16xf32>
        %parallel_loop3A_270 = arith.constant 11.3137083 : f32
        %parallel_loop3A_271 = vector.broadcast %parallel_loop3A_270 : f32 to vector<16xf32>
        %parallel_loop3A_272 = arith.mulf %parallel_loop3A_269, %parallel_loop3A_271 : vector<16xf32>
        %parallel_loop3A_273 = arith.index_cast %parallel_loop3A_181 : i32 to index
        %parallel_loop3A_274 = arith.constant 112 : index
        %parallel_loop3A_275 = tpu.vector_load %arg8[%parallel_loop3A_273, %parallel_loop3A_274] {strides = array<i32>} : memref<128x128xf32, #tpu.memory_space<vmem>>, vector<1x16xf32>,
        %parallel_loop3A_276 = vector.shape_cast %parallel_loop3A_275 : vector<1x16xf32> to vector<16xf32>
        %parallel_loop3A_277 = vector.shape_cast %parallel_loop3A_272 : vector<16xf32> to vector<1x16xf32>
        tpu.vector_store %arg8[%parallel_loop3A_273, %parallel_loop3A_274], %parallel_loop3A_277 {strides = array<i32>} : memref<128x128xf32, #tpu.memory_space<vmem>>, vector<1x16xf32>,
      } {sc.loop_unroll_factor = 4 : i64, sc.parallel_access}
      %mul3A_133 = arith.constant 128 : i32
      %mul3A_134 = arith.muli %add3A_118, %mul3A_133 : i32
      %add3A_135 = arith.addi %mul3A_4, %mul3A_134 : i32
      %dma_start3A_136 = arith.constant 0 : i32
      %dma_start3A_137 = tpu.memref_slice %arg4[%add3A_135, %dma_start3A_136] : memref<819200x128xf32, #tpu.memory_space<hbm>> -> memref<128x128xf32, #tpu.memory_space<hbm>>
      %dma_start3A_138 = arith.constant 0 : i32
      %dma_start3A_139 = tpu.memref_slice %arg4[%add3A_135, %dma_start3A_138] : memref<819200x128xf32, #tpu.memory_space<hbm>> -> memref<128x128xf32, #tpu.memory_space<hbm>>
      tpu.enqueue_dma source(%arg8 : memref<128x128xf32, #tpu.memory_space<vmem>>) target(%dma_start3A_139 : memref<128x128xf32, #tpu.memory_space<hbm>>) target_semaphore(%arg12 : memref<!tpu.dma_semaphore, #tpu.memory_space<semaphore_mem>>)
      %add3A_140 = arith.constant 2 : i32
      %add3A_141 = arith.addi %add3A_118, %add3A_140 : i32
      %dma_start3A_142 = arith.constant 0 : i32
      %dma_start3A_143 = tpu.memref_slice %arg5[%add3A_141, %dma_start3A_142] : memref<200x128xi32, #tpu.memory_space<vmem>> -> memref<1x128xi32, #tpu.memory_space<vmem>>
      %dma_start3A_144 = tpu.memref_squeeze %dma_start3A_143 : memref<1x128xi32, #tpu.memory_space<vmem>> -> memref<128xi32, #tpu.memory_space<vmem>>
      %dma_start3A_145 = arith.constant 0 : i32
      %dma_start3A_146 = arith.constant 0 : i32
      %dma_start3A_147 = tpu.memref_slice %arg3[%dma_start3A_145, %dma_start3A_146] : memref<100000x128xf32, #tpu.memory_space<hbm>> -> memref<100000x128xf32, #tpu.memory_space<hbm>>
      tpu.enqueue_indirect_dma source(%dma_start3A_147 : memref<100000x128xf32, #tpu.memory_space<hbm>>) target(%arg6 : memref<128x128xf32, #tpu.memory_space<vmem>>) offsets(%dma_start3A_144 : memref<128xi32, #tpu.memory_space<vmem>>) semaphore(%arg10 : memref<!tpu.dma_semaphore, #tpu.memory_space<semaphore_mem>>)
      %mul3A_148 = arith.constant 2 : i32
      %mul3A_149 = arith.muli %scan3A_114, %mul3A_148 : i32
      %add3A_150 = arith.constant 1 : i32
      %add3A_151 = arith.addi %mul3A_149, %add3A_150 : i32
      %dma_wait3A_152 = arith.constant 0 : i32
      %dma_wait3A_153 = arith.constant 0 : i32
      %dma_wait3A_154 = tpu.memref_slice %arg5[%dma_wait3A_152, %dma_wait3A_153] : memref<200x128xi32, #tpu.memory_space<vmem>> -> memref<1x128xi32, #tpu.memory_space<vmem>>
      %dma_wait3A_155 = tpu.memref_squeeze %dma_wait3A_154 : memref<1x128xi32, #tpu.memory_space<vmem>> -> memref<128xi32, #tpu.memory_space<vmem>>
      %dma_wait3A_156 = arith.constant 0 : i32
      %dma_wait3A_157 = arith.constant 0 : i32
      %dma_wait3A_158 = tpu.memref_slice %arg3[%dma_wait3A_156, %dma_wait3A_157] : memref<100000x128xf32, #tpu.memory_space<hbm>> -> memref<100000x128xf32, #tpu.memory_space<hbm>>
      tpu.wait_indirect_dma semaphore(%arg11 : memref<!tpu.dma_semaphore, #tpu.memory_space<semaphore_mem>>) src(%dma_wait3A_158 : memref<100000x128xf32, #tpu.memory_space<hbm>>) dst(%arg7 : memref<128x128xf32, #tpu.memory_space<vmem>>)
      %dma_wait3A_159 = arith.constant 0 : i32
      %dma_wait3A_160 = tpu.memref_slice %arg4[%mul3A_4, %dma_wait3A_159] : memref<819200x128xf32, #tpu.memory_space<hbm>> -> memref<128x128xf32, #tpu.memory_space<hbm>>
      %dma_wait3A_161 = arith.constant 0 : i32
      %dma_wait3A_162 = tpu.memref_slice %arg4[%mul3A_4, %dma_wait3A_161] : memref<819200x128xf32, #tpu.memory_space<hbm>> -> memref<128x128xf32, #tpu.memory_space<hbm>>
      tpu.wait_dma2 semaphore(%arg13 : memref<!tpu.dma_semaphore, #tpu.memory_space<semaphore_mem>>) src(%arg9 : memref<128x128xf32, #tpu.memory_space<vmem>>) dst(%dma_wait3A_162 : memref<128x128xf32, #tpu.memory_space<hbm>>)
      %parallel_loop3A_163 = arith.constant 0 : i32
      %parallel_loop3A_164 = arith.constant 128 : i32
      %parallel_loop3A_165 = arith.constant 1 : i32
      scf.for %parallel_loop3A_181 = %parallel_loop3A_163 to %parallel_loop3A_164 step %parallel_loop3A_165  : i32 {
        %parallel_loop3A_182 = arith.index_cast %parallel_loop3A_181 : i32 to index
        %parallel_loop3A_183 = arith.constant 0 : index
        %parallel_loop3A_184 = tpu.vector_load %arg7[%parallel_loop3A_182, %parallel_loop3A_183] {strides = array<i32>} : memref<128x128xf32, #tpu.memory_space<vmem>>, vector<1x16xf32>,
        %parallel_loop3A_185 = vector.shape_cast %parallel_loop3A_184 : vector<1x16xf32> to vector<16xf32>
        %parallel_loop3A_186 = arith.constant 11.3137083 : f32
        %parallel_loop3A_187 = vector.broadcast %parallel_loop3A_186 : f32 to vector<16xf32>
        %parallel_loop3A_188 = arith.mulf %parallel_loop3A_185, %parallel_loop3A_187 : vector<16xf32>
        %parallel_loop3A_189 = arith.index_cast %parallel_loop3A_181 : i32 to index
        %parallel_loop3A_190 = arith.constant 0 : index
        %parallel_loop3A_191 = tpu.vector_load %arg9[%parallel_loop3A_189, %parallel_loop3A_190] {strides = array<i32>} : memref<128x128xf32, #tpu.memory_space<vmem>>, vector<1x16xf32>,
        %parallel_loop3A_192 = vector.shape_cast %parallel_loop3A_191 : vector<1x16xf32> to vector<16xf32>
        %parallel_loop3A_193 = vector.shape_cast %parallel_loop3A_188 : vector<16xf32> to vector<1x16xf32>
        tpu.vector_store %arg9[%parallel_loop3A_189, %parallel_loop3A_190], %parallel_loop3A_193 {strides = array<i32>} : memref<128x128xf32, #tpu.memory_space<vmem>>, vector<1x16xf32>,
        %parallel_loop3A_194 = arith.index_cast %parallel_loop3A_181 : i32 to index
        %parallel_loop3A_195 = arith.constant 16 : index
        %parallel_loop3A_196 = tpu.vector_load %arg7[%parallel_loop3A_194, %parallel_loop3A_195] {strides = array<i32>} : memref<128x128xf32, #tpu.memory_space<vmem>>, vector<1x16xf32>,
        %parallel_loop3A_197 = vector.shape_cast %parallel_loop3A_196 : vector<1x16xf32> to vector<16xf32>
        %parallel_loop3A_198 = arith.constant 11.3137083 : f32
        %parallel_loop3A_199 = vector.broadcast %parallel_loop3A_198 : f32 to vector<16xf32>
        %parallel_loop3A_200 = arith.mulf %parallel_loop3A_197, %parallel_loop3A_199 : vector<16xf32>
        %parallel_loop3A_201 = arith.index_cast %parallel_loop3A_181 : i32 to index
        %parallel_loop3A_202 = arith.constant 16 : index
        %parallel_loop3A_203 = tpu.vector_load %arg9[%parallel_loop3A_201, %parallel_loop3A_202] {strides = array<i32>} : memref<128x128xf32, #tpu.memory_space<vmem>>, vector<1x16xf32>,
        %parallel_loop3A_204 = vector.shape_cast %parallel_loop3A_203 : vector<1x16xf32> to vector<16xf32>
        %parallel_loop3A_205 = vector.shape_cast %parallel_loop3A_200 : vector<16xf32> to vector<1x16xf32>
        tpu.vector_store %arg9[%parallel_loop3A_201, %parallel_loop3A_202], %parallel_loop3A_205 {strides = array<i32>} : memref<128x128xf32, #tpu.memory_space<vmem>>, vector<1x16xf32>,
        %parallel_loop3A_206 = arith.index_cast %parallel_loop3A_181 : i32 to index
        %parallel_loop3A_207 = arith.constant 32 : index
        %parallel_loop3A_208 = tpu.vector_load %arg7[%parallel_loop3A_206, %parallel_loop3A_207] {strides = array<i32>} : memref<128x128xf32, #tpu.memory_space<vmem>>, vector<1x16xf32>,
        %parallel_loop3A_209 = vector.shape_cast %parallel_loop3A_208 : vector<1x16xf32> to vector<16xf32>
        %parallel_loop3A_210 = arith.constant 11.3137083 : f32
        %parallel_loop3A_211 = vector.broadcast %parallel_loop3A_210 : f32 to vector<16xf32>
        %parallel_loop3A_212 = arith.mulf %parallel_loop3A_209, %parallel_loop3A_211 : vector<16xf32>
        %parallel_loop3A_213 = arith.index_cast %parallel_loop3A_181 : i32 to index
        %parallel_loop3A_214 = arith.constant 32 : index
        %parallel_loop3A_215 = tpu.vector_load %arg9[%parallel_loop3A_213, %parallel_loop3A_214] {strides = array<i32>} : memref<128x128xf32, #tpu.memory_space<vmem>>, vector<1x16xf32>,
        %parallel_loop3A_216 = vector.shape_cast %parallel_loop3A_215 : vector<1x16xf32> to vector<16xf32>
        %parallel_loop3A_217 = vector.shape_cast %parallel_loop3A_212 : vector<16xf32> to vector<1x16xf32>
        tpu.vector_store %arg9[%parallel_loop3A_213, %parallel_loop3A_214], %parallel_loop3A_217 {strides = array<i32>} : memref<128x128xf32, #tpu.memory_space<vmem>>, vector<1x16xf32>,
        %parallel_loop3A_218 = arith.index_cast %parallel_loop3A_181 : i32 to index
        %parallel_loop3A_219 = arith.constant 48 : index
        %parallel_loop3A_220 = tpu.vector_load %arg7[%parallel_loop3A_218, %parallel_loop3A_219] {strides = array<i32>} : memref<128x128xf32, #tpu.memory_space<vmem>>, vector<1x16xf32>,
        %parallel_loop3A_221 = vector.shape_cast %parallel_loop3A_220 : vector<1x16xf32> to vector<16xf32>
        %parallel_loop3A_222 = arith.constant 11.3137083 : f32
        %parallel_loop3A_223 = vector.broadcast %parallel_loop3A_222 : f32 to vector<16xf32>
        %parallel_loop3A_224 = arith.mulf %parallel_loop3A_221, %parallel_loop3A_223 : vector<16xf32>
        %parallel_loop3A_225 = arith.index_cast %parallel_loop3A_181 : i32 to index
        %parallel_loop3A_226 = arith.constant 48 : index
        %parallel_loop3A_227 = tpu.vector_load %arg9[%parallel_loop3A_225, %parallel_loop3A_226] {strides = array<i32>} : memref<128x128xf32, #tpu.memory_space<vmem>>, vector<1x16xf32>,
        %parallel_loop3A_228 = vector.shape_cast %parallel_loop3A_227 : vector<1x16xf32> to vector<16xf32>
        %parallel_loop3A_229 = vector.shape_cast %parallel_loop3A_224 : vector<16xf32> to vector<1x16xf32>
        tpu.vector_store %arg9[%parallel_loop3A_225, %parallel_loop3A_226], %parallel_loop3A_229 {strides = array<i32>} : memref<128x128xf32, #tpu.memory_space<vmem>>, vector<1x16xf32>,
        %parallel_loop3A_230 = arith.index_cast %parallel_loop3A_181 : i32 to index
        %parallel_loop3A_231 = arith.constant 64 : index
        %parallel_loop3A_232 = tpu.vector_load %arg7[%parallel_loop3A_230, %parallel_loop3A_231] {strides = array<i32>} : memref<128x128xf32, #tpu.memory_space<vmem>>, vector<1x16xf32>,
        %parallel_loop3A_233 = vector.shape_cast %parallel_loop3A_232 : vector<1x16xf32> to vector<16xf32>
        %parallel_loop3A_234 = arith.constant 11.3137083 : f32
        %parallel_loop3A_235 = vector.broadcast %parallel_loop3A_234 : f32 to vector<16xf32>
        %parallel_loop3A_236 = arith.mulf %parallel_loop3A_233, %parallel_loop3A_235 : vector<16xf32>
        %parallel_loop3A_237 = arith.index_cast %parallel_loop3A_181 : i32 to index
        %parallel_loop3A_238 = arith.constant 64 : index
        %parallel_loop3A_239 = tpu.vector_load %arg9[%parallel_loop3A_237, %parallel_loop3A_238] {strides = array<i32>} : memref<128x128xf32, #tpu.memory_space<vmem>>, vector<1x16xf32>,
        %parallel_loop3A_240 = vector.shape_cast %parallel_loop3A_239 : vector<1x16xf32> to vector<16xf32>
        %parallel_loop3A_241 = vector.shape_cast %parallel_loop3A_236 : vector<16xf32> to vector<1x16xf32>
        tpu.vector_store %arg9[%parallel_loop3A_237, %parallel_loop3A_238], %parallel_loop3A_241 {strides = array<i32>} : memref<128x128xf32, #tpu.memory_space<vmem>>, vector<1x16xf32>,
        %parallel_loop3A_242 = arith.index_cast %parallel_loop3A_181 : i32 to index
        %parallel_loop3A_243 = arith.constant 80 : index
        %parallel_loop3A_244 = tpu.vector_load %arg7[%parallel_loop3A_242, %parallel_loop3A_243] {strides = array<i32>} : memref<128x128xf32, #tpu.memory_space<vmem>>, vector<1x16xf32>,
        %parallel_loop3A_245 = vector.shape_cast %parallel_loop3A_244 : vector<1x16xf32> to vector<16xf32>
        %parallel_loop3A_246 = arith.constant 11.3137083 : f32
        %parallel_loop3A_247 = vector.broadcast %parallel_loop3A_246 : f32 to vector<16xf32>
        %parallel_loop3A_248 = arith.mulf %parallel_loop3A_245, %parallel_loop3A_247 : vector<16xf32>
        %parallel_loop3A_249 = arith.index_cast %parallel_loop3A_181 : i32 to index
        %parallel_loop3A_250 = arith.constant 80 : index
        %parallel_loop3A_251 = tpu.vector_load %arg9[%parallel_loop3A_249, %parallel_loop3A_250] {strides = array<i32>} : memref<128x128xf32, #tpu.memory_space<vmem>>, vector<1x16xf32>,
        %parallel_loop3A_252 = vector.shape_cast %parallel_loop3A_251 : vector<1x16xf32> to vector<16xf32>
        %parallel_loop3A_253 = vector.shape_cast %parallel_loop3A_248 : vector<16xf32> to vector<1x16xf32>
        tpu.vector_store %arg9[%parallel_loop3A_249, %parallel_loop3A_250], %parallel_loop3A_253 {strides = array<i32>} : memref<128x128xf32, #tpu.memory_space<vmem>>, vector<1x16xf32>,
        %parallel_loop3A_254 = arith.index_cast %parallel_loop3A_181 : i32 to index
        %parallel_loop3A_255 = arith.constant 96 : index
        %parallel_loop3A_256 = tpu.vector_load %arg7[%parallel_loop3A_254, %parallel_loop3A_255] {strides = array<i32>} : memref<128x128xf32, #tpu.memory_space<vmem>>, vector<1x16xf32>,
        %parallel_loop3A_257 = vector.shape_cast %parallel_loop3A_256 : vector<1x16xf32> to vector<16xf32>
        %parallel_loop3A_258 = arith.constant 11.3137083 : f32
        %parallel_loop3A_259 = vector.broadcast %parallel_loop3A_258 : f32 to vector<16xf32>
        %parallel_loop3A_260 = arith.mulf %parallel_loop3A_257, %parallel_loop3A_259 : vector<16xf32>
        %parallel_loop3A_261 = arith.index_cast %parallel_loop3A_181 : i32 to index
        %parallel_loop3A_262 = arith.constant 96 : index
        %parallel_loop3A_263 = tpu.vector_load %arg9[%parallel_loop3A_261, %parallel_loop3A_262] {strides = array<i32>} : memref<128x128xf32, #tpu.memory_space<vmem>>, vector<1x16xf32>,
        %parallel_loop3A_264 = vector.shape_cast %parallel_loop3A_263 : vector<1x16xf32> to vector<16xf32>
        %parallel_loop3A_265 = vector.shape_cast %parallel_loop3A_260 : vector<16xf32> to vector<1x16xf32>
        tpu.vector_store %arg9[%parallel_loop3A_261, %parallel_loop3A_262], %parallel_loop3A_265 {strides = array<i32>} : memref<128x128xf32, #tpu.memory_space<vmem>>, vector<1x16xf32>,
        %parallel_loop3A_266 = arith.index_cast %parallel_loop3A_181 : i32 to index
        %parallel_loop3A_267 = arith.constant 112 : index
        %parallel_loop3A_268 = tpu.vector_load %arg7[%parallel_loop3A_266, %parallel_loop3A_267] {strides = array<i32>} : memref<128x128xf32, #tpu.memory_space<vmem>>, vector<1x16xf32>,
        %parallel_loop3A_269 = vector.shape_cast %parallel_loop3A_268 : vector<1x16xf32> to vector<16xf32>
        %parallel_loop3A_270 = arith.constant 11.3137083 : f32
        %parallel_loop3A_271 = vector.broadcast %parallel_loop3A_270 : f32 to vector<16xf32>
        %parallel_loop3A_272 = arith.mulf %parallel_loop3A_269, %parallel_loop3A_271 : vector<16xf32>
        %parallel_loop3A_273 = arith.index_cast %parallel_loop3A_181 : i32 to index
        %parallel_loop3A_274 = arith.constant 112 : index
        %parallel_loop3A_275 = tpu.vector_load %arg9[%parallel_loop3A_273, %parallel_loop3A_274] {strides = array<i32>} : memref<128x128xf32, #tpu.memory_space<vmem>>, vector<1x16xf32>,
        %parallel_loop3A_276 = vector.shape_cast %parallel_loop3A_275 : vector<1x16xf32> to vector<16xf32>
        %parallel_loop3A_277 = vector.shape_cast %parallel_loop3A_272 : vector<16xf32> to vector<1x16xf32>
        tpu.vector_store %arg9[%parallel_loop3A_273, %parallel_loop3A_274], %parallel_loop3A_277 {strides = array<i32>} : memref<128x128xf32, #tpu.memory_space<vmem>>, vector<1x16xf32>,
      } {sc.loop_unroll_factor = 4 : i64, sc.parallel_access}
      %mul3A_166 = arith.constant 128 : i32
      %mul3A_167 = arith.muli %add3A_151, %mul3A_166 : i32
      %add3A_168 = arith.addi %mul3A_4, %mul3A_167 : i32
      %dma_start3A_169 = arith.constant 0 : i32
      %dma_start3A_170 = tpu.memref_slice %arg4[%add3A_168, %dma_start3A_169] : memref<819200x128xf32, #tpu.memory_space<hbm>> -> memref<128x128xf32, #tpu.memory_space<hbm>>
      %dma_start3A_171 = arith.constant 0 : i32
      %dma_start3A_172 = tpu.memref_slice %arg4[%add3A_168, %dma_start3A_171] : memref<819200x128xf32, #tpu.memory_space<hbm>> -> memref<128x128xf32, #tpu.memory_space<hbm>>
      tpu.enqueue_dma source(%arg9 : memref<128x128xf32, #tpu.memory_space<vmem>>) target(%dma_start3A_172 : memref<128x128xf32, #tpu.memory_space<hbm>>) target_semaphore(%arg13 : memref<!tpu.dma_semaphore, #tpu.memory_space<semaphore_mem>>)
      %add3A_173 = arith.constant 2 : i32
      %add3A_174 = arith.addi %add3A_151, %add3A_173 : i32
      %dma_start3A_175 = arith.constant 0 : i32
      %dma_start3A_176 = tpu.memref_slice %arg5[%add3A_174, %dma_start3A_175] : memref<200x128xi32, #tpu.memory_space<vmem>> -> memref<1x128xi32, #tpu.memory_space<vmem>>
      %dma_start3A_177 = tpu.memref_squeeze %dma_start3A_176 : memref<1x128xi32, #tpu.memory_space<vmem>> -> memref<128xi32, #tpu.memory_space<vmem>>
      %dma_start3A_178 = arith.constant 0 : i32
      %dma_start3A_179 = arith.constant 0 : i32
      %dma_start3A_180 = tpu.memref_slice %arg3[%dma_start3A_178, %dma_start3A_179] : memref<100000x128xf32, #tpu.memory_space<hbm>> -> memref<100000x128xf32, #tpu.memory_space<hbm>>
      tpu.enqueue_indirect_dma source(%dma_start3A_180 : memref<100000x128xf32, #tpu.memory_space<hbm>>) target(%arg7 : memref<128x128xf32, #tpu.memory_space<vmem>>) offsets(%dma_start3A_177 : memref<128xi32, #tpu.memory_space<vmem>>) semaphore(%arg11 : memref<!tpu.dma_semaphore, #tpu.memory_space<semaphore_mem>>)
    }
    %scan3A_65 = arith.constant 98 : i32
    %dma_wait3A_66 = arith.constant 0 : i32
    %dma_wait3A_67 = arith.constant 0 : i32
    %dma_wait3A_68 = tpu.memref_slice %arg5[%dma_wait3A_66, %dma_wait3A_67] : memref<200x128xi32, #tpu.memory_space<vmem>> -> memref<1x128xi32, #tpu.memory_space<vmem>>
    %dma_wait3A_69 = tpu.memref_squeeze %dma_wait3A_68 : memref<1x128xi32, #tpu.memory_space<vmem>> -> memref<128xi32, #tpu.memory_space<vmem>>
    %dma_wait3A_70 = arith.constant 0 : i32
    %dma_wait3A_71 = arith.constant 0 : i32
    %dma_wait3A_72 = tpu.memref_slice %arg3[%dma_wait3A_70, %dma_wait3A_71] : memref<100000x128xf32, #tpu.memory_space<hbm>> -> memref<100000x128xf32, #tpu.memory_space<hbm>>
    tpu.wait_indirect_dma semaphore(%arg10 : memref<!tpu.dma_semaphore, #tpu.memory_space<semaphore_mem>>) src(%dma_wait3A_72 : memref<100000x128xf32, #tpu.memory_space<hbm>>) dst(%arg6 : memref<128x128xf32, #tpu.memory_space<vmem>>)
    %dma_wait3A_73 = arith.constant 0 : i32
    %dma_wait3A_74 = tpu.memref_slice %arg4[%mul3A_4, %dma_wait3A_73] : memref<819200x128xf32, #tpu.memory_space<hbm>> -> memref<128x128xf32, #tpu.memory_space<hbm>>
    %dma_wait3A_75 = arith.constant 0 : i32
    %dma_wait3A_76 = tpu.memref_slice %arg4[%mul3A_4, %dma_wait3A_75] : memref<819200x128xf32, #tpu.memory_space<hbm>> -> memref<128x128xf32, #tpu.memory_space<hbm>>
    tpu.wait_dma2 semaphore(%arg12 : memref<!tpu.dma_semaphore, #tpu.memory_space<semaphore_mem>>) src(%arg8 : memref<128x128xf32, #tpu.memory_space<vmem>>) dst(%dma_wait3A_76 : memref<128x128xf32, #tpu.memory_space<hbm>>)
    %parallel_loop3A_77 = arith.constant 0 : i32
    %parallel_loop3A_78 = arith.constant 128 : i32
    %parallel_loop3A_79 = arith.constant 1 : i32
    scf.for %parallel_loop3A_114 = %parallel_loop3A_77 to %parallel_loop3A_78 step %parallel_loop3A_79  : i32 {
      %parallel_loop3A_115 = arith.index_cast %parallel_loop3A_114 : i32 to index
      %parallel_loop3A_116 = arith.constant 0 : index
      %parallel_loop3A_117 = tpu.vector_load %arg6[%parallel_loop3A_115, %parallel_loop3A_116] {strides = array<i32>} : memref<128x128xf32, #tpu.memory_space<vmem>>, vector<1x16xf32>,
      %parallel_loop3A_118 = vector.shape_cast %parallel_loop3A_117 : vector<1x16xf32> to vector<16xf32>
      %parallel_loop3A_119 = arith.constant 11.3137083 : f32
      %parallel_loop3A_120 = vector.broadcast %parallel_loop3A_119 : f32 to vector<16xf32>
      %parallel_loop3A_121 = arith.mulf %parallel_loop3A_118, %parallel_loop3A_120 : vector<16xf32>
      %parallel_loop3A_122 = arith.index_cast %parallel_loop3A_114 : i32 to index
      %parallel_loop3A_123 = arith.constant 0 : index
      %parallel_loop3A_124 = tpu.vector_load %arg8[%parallel_loop3A_122, %parallel_loop3A_123] {strides = array<i32>} : memref<128x128xf32, #tpu.memory_space<vmem>>, vector<1x16xf32>,
      %parallel_loop3A_125 = vector.shape_cast %parallel_loop3A_124 : vector<1x16xf32> to vector<16xf32>
      %parallel_loop3A_126 = vector.shape_cast %parallel_loop3A_121 : vector<16xf32> to vector<1x16xf32>
      tpu.vector_store %arg8[%parallel_loop3A_122, %parallel_loop3A_123], %parallel_loop3A_126 {strides = array<i32>} : memref<128x128xf32, #tpu.memory_space<vmem>>, vector<1x16xf32>,
      %parallel_loop3A_127 = arith.index_cast %parallel_loop3A_114 : i32 to index
      %parallel_loop3A_128 = arith.constant 16 : index
      %parallel_loop3A_129 = tpu.vector_load %arg6[%parallel_loop3A_127, %parallel_loop3A_128] {strides = array<i32>} : memref<128x128xf32, #tpu.memory_space<vmem>>, vector<1x16xf32>,
      %parallel_loop3A_130 = vector.shape_cast %parallel_loop3A_129 : vector<1x16xf32> to vector<16xf32>
      %parallel_loop3A_131 = arith.constant 11.3137083 : f32
      %parallel_loop3A_132 = vector.broadcast %parallel_loop3A_131 : f32 to vector<16xf32>
      %parallel_loop3A_133 = arith.mulf %parallel_loop3A_130, %parallel_loop3A_132 : vector<16xf32>
      %parallel_loop3A_134 = arith.index_cast %parallel_loop3A_114 : i32 to index
      %parallel_loop3A_135 = arith.constant 16 : index
      %parallel_loop3A_136 = tpu.vector_load %arg8[%parallel_loop3A_134, %parallel_loop3A_135] {strides = array<i32>} : memref<128x128xf32, #tpu.memory_space<vmem>>, vector<1x16xf32>,
      %parallel_loop3A_137 = vector.shape_cast %parallel_loop3A_136 : vector<1x16xf32> to vector<16xf32>
      %parallel_loop3A_138 = vector.shape_cast %parallel_loop3A_133 : vector<16xf32> to vector<1x16xf32>
      tpu.vector_store %arg8[%parallel_loop3A_134, %parallel_loop3A_135], %parallel_loop3A_138 {strides = array<i32>} : memref<128x128xf32, #tpu.memory_space<vmem>>, vector<1x16xf32>,
      %parallel_loop3A_139 = arith.index_cast %parallel_loop3A_114 : i32 to index
      %parallel_loop3A_140 = arith.constant 32 : index
      %parallel_loop3A_141 = tpu.vector_load %arg6[%parallel_loop3A_139, %parallel_loop3A_140] {strides = array<i32>} : memref<128x128xf32, #tpu.memory_space<vmem>>, vector<1x16xf32>,
      %parallel_loop3A_142 = vector.shape_cast %parallel_loop3A_141 : vector<1x16xf32> to vector<16xf32>
      %parallel_loop3A_143 = arith.constant 11.3137083 : f32
      %parallel_loop3A_144 = vector.broadcast %parallel_loop3A_143 : f32 to vector<16xf32>
      %parallel_loop3A_145 = arith.mulf %parallel_loop3A_142, %parallel_loop3A_144 : vector<16xf32>
      %parallel_loop3A_146 = arith.index_cast %parallel_loop3A_114 : i32 to index
      %parallel_loop3A_147 = arith.constant 32 : index
      %parallel_loop3A_148 = tpu.vector_load %arg8[%parallel_loop3A_146, %parallel_loop3A_147] {strides = array<i32>} : memref<128x128xf32, #tpu.memory_space<vmem>>, vector<1x16xf32>,
      %parallel_loop3A_149 = vector.shape_cast %parallel_loop3A_148 : vector<1x16xf32> to vector<16xf32>
      %parallel_loop3A_150 = vector.shape_cast %parallel_loop3A_145 : vector<16xf32> to vector<1x16xf32>
      tpu.vector_store %arg8[%parallel_loop3A_146, %parallel_loop3A_147], %parallel_loop3A_150 {strides = array<i32>} : memref<128x128xf32, #tpu.memory_space<vmem>>, vector<1x16xf32>,
      %parallel_loop3A_151 = arith.index_cast %parallel_loop3A_114 : i32 to index
      %parallel_loop3A_152 = arith.constant 48 : index
      %parallel_loop3A_153 = tpu.vector_load %arg6[%parallel_loop3A_151, %parallel_loop3A_152] {strides = array<i32>} : memref<128x128xf32, #tpu.memory_space<vmem>>, vector<1x16xf32>,
      %parallel_loop3A_154 = vector.shape_cast %parallel_loop3A_153 : vector<1x16xf32> to vector<16xf32>
      %parallel_loop3A_155 = arith.constant 11.3137083 : f32
      %parallel_loop3A_156 = vector.broadcast %parallel_loop3A_155 : f32 to vector<16xf32>
      %parallel_loop3A_157 = arith.mulf %parallel_loop3A_154, %parallel_loop3A_156 : vector<16xf32>
      %parallel_loop3A_158 = arith.index_cast %parallel_loop3A_114 : i32 to index
      %parallel_loop3A_159 = arith.constant 48 : index
      %parallel_loop3A_160 = tpu.vector_load %arg8[%parallel_loop3A_158, %parallel_loop3A_159] {strides = array<i32>} : memref<128x128xf32, #tpu.memory_space<vmem>>, vector<1x16xf32>,
      %parallel_loop3A_161 = vector.shape_cast %parallel_loop3A_160 : vector<1x16xf32> to vector<16xf32>
      %parallel_loop3A_162 = vector.shape_cast %parallel_loop3A_157 : vector<16xf32> to vector<1x16xf32>
      tpu.vector_store %arg8[%parallel_loop3A_158, %parallel_loop3A_159], %parallel_loop3A_162 {strides = array<i32>} : memref<128x128xf32, #tpu.memory_space<vmem>>, vector<1x16xf32>,
      %parallel_loop3A_163 = arith.index_cast %parallel_loop3A_114 : i32 to index
      %parallel_loop3A_164 = arith.constant 64 : index
      %parallel_loop3A_165 = tpu.vector_load %arg6[%parallel_loop3A_163, %parallel_loop3A_164] {strides = array<i32>} : memref<128x128xf32, #tpu.memory_space<vmem>>, vector<1x16xf32>,
      %parallel_loop3A_166 = vector.shape_cast %parallel_loop3A_165 : vector<1x16xf32> to vector<16xf32>
      %parallel_loop3A_167 = arith.constant 11.3137083 : f32
      %parallel_loop3A_168 = vector.broadcast %parallel_loop3A_167 : f32 to vector<16xf32>
      %parallel_loop3A_169 = arith.mulf %parallel_loop3A_166, %parallel_loop3A_168 : vector<16xf32>
      %parallel_loop3A_170 = arith.index_cast %parallel_loop3A_114 : i32 to index
      %parallel_loop3A_171 = arith.constant 64 : index
      %parallel_loop3A_172 = tpu.vector_load %arg8[%parallel_loop3A_170, %parallel_loop3A_171] {strides = array<i32>} : memref<128x128xf32, #tpu.memory_space<vmem>>, vector<1x16xf32>,
      %parallel_loop3A_173 = vector.shape_cast %parallel_loop3A_172 : vector<1x16xf32> to vector<16xf32>
      %parallel_loop3A_174 = vector.shape_cast %parallel_loop3A_169 : vector<16xf32> to vector<1x16xf32>
      tpu.vector_store %arg8[%parallel_loop3A_170, %parallel_loop3A_171], %parallel_loop3A_174 {strides = array<i32>} : memref<128x128xf32, #tpu.memory_space<vmem>>, vector<1x16xf32>,
      %parallel_loop3A_175 = arith.index_cast %parallel_loop3A_114 : i32 to index
      %parallel_loop3A_176 = arith.constant 80 : index
      %parallel_loop3A_177 = tpu.vector_load %arg6[%parallel_loop3A_175, %parallel_loop3A_176] {strides = array<i32>} : memref<128x128xf32, #tpu.memory_space<vmem>>, vector<1x16xf32>,
      %parallel_loop3A_178 = vector.shape_cast %parallel_loop3A_177 : vector<1x16xf32> to vector<16xf32>
      %parallel_loop3A_179 = arith.constant 11.3137083 : f32
      %parallel_loop3A_180 = vector.broadcast %parallel_loop3A_179 : f32 to vector<16xf32>
      %parallel_loop3A_181 = arith.mulf %parallel_loop3A_178, %parallel_loop3A_180 : vector<16xf32>
      %parallel_loop3A_182 = arith.index_cast %parallel_loop3A_114 : i32 to index
      %parallel_loop3A_183 = arith.constant 80 : index
      %parallel_loop3A_184 = tpu.vector_load %arg8[%parallel_loop3A_182, %parallel_loop3A_183] {strides = array<i32>} : memref<128x128xf32, #tpu.memory_space<vmem>>, vector<1x16xf32>,
      %parallel_loop3A_185 = vector.shape_cast %parallel_loop3A_184 : vector<1x16xf32> to vector<16xf32>
      %parallel_loop3A_186 = vector.shape_cast %parallel_loop3A_181 : vector<16xf32> to vector<1x16xf32>
      tpu.vector_store %arg8[%parallel_loop3A_182, %parallel_loop3A_183], %parallel_loop3A_186 {strides = array<i32>} : memref<128x128xf32, #tpu.memory_space<vmem>>, vector<1x16xf32>,
      %parallel_loop3A_187 = arith.index_cast %parallel_loop3A_114 : i32 to index
      %parallel_loop3A_188 = arith.constant 96 : index
      %parallel_loop3A_189 = tpu.vector_load %arg6[%parallel_loop3A_187, %parallel_loop3A_188] {strides = array<i32>} : memref<128x128xf32, #tpu.memory_space<vmem>>, vector<1x16xf32>,
      %parallel_loop3A_190 = vector.shape_cast %parallel_loop3A_189 : vector<1x16xf32> to vector<16xf32>
      %parallel_loop3A_191 = arith.constant 11.3137083 : f32
      %parallel_loop3A_192 = vector.broadcast %parallel_loop3A_191 : f32 to vector<16xf32>
      %parallel_loop3A_193 = arith.mulf %parallel_loop3A_190, %parallel_loop3A_192 : vector<16xf32>
      %parallel_loop3A_194 = arith.index_cast %parallel_loop3A_114 : i32 to index
      %parallel_loop3A_195 = arith.constant 96 : index
      %parallel_loop3A_196 = tpu.vector_load %arg8[%parallel_loop3A_194, %parallel_loop3A_195] {strides = array<i32>} : memref<128x128xf32, #tpu.memory_space<vmem>>, vector<1x16xf32>,
      %parallel_loop3A_197 = vector.shape_cast %parallel_loop3A_196 : vector<1x16xf32> to vector<16xf32>
      %parallel_loop3A_198 = vector.shape_cast %parallel_loop3A_193 : vector<16xf32> to vector<1x16xf32>
      tpu.vector_store %arg8[%parallel_loop3A_194, %parallel_loop3A_195], %parallel_loop3A_198 {strides = array<i32>} : memref<128x128xf32, #tpu.memory_space<vmem>>, vector<1x16xf32>,
      %parallel_loop3A_199 = arith.index_cast %parallel_loop3A_114 : i32 to index
      %parallel_loop3A_200 = arith.constant 112 : index
      %parallel_loop3A_201 = tpu.vector_load %arg6[%parallel_loop3A_199, %parallel_loop3A_200] {strides = array<i32>} : memref<128x128xf32, #tpu.memory_space<vmem>>, vector<1x16xf32>,
      %parallel_loop3A_202 = vector.shape_cast %parallel_loop3A_201 : vector<1x16xf32> to vector<16xf32>
      %parallel_loop3A_203 = arith.constant 11.3137083 : f32
      %parallel_loop3A_204 = vector.broadcast %parallel_loop3A_203 : f32 to vector<16xf32>
      %parallel_loop3A_205 = arith.mulf %parallel_loop3A_202, %parallel_loop3A_204 : vector<16xf32>
      %parallel_loop3A_206 = arith.index_cast %parallel_loop3A_114 : i32 to index
      %parallel_loop3A_207 = arith.constant 112 : index
      %parallel_loop3A_208 = tpu.vector_load %arg8[%parallel_loop3A_206, %parallel_loop3A_207] {strides = array<i32>} : memref<128x128xf32, #tpu.memory_space<vmem>>, vector<1x16xf32>,
      %parallel_loop3A_209 = vector.shape_cast %parallel_loop3A_208 : vector<1x16xf32> to vector<16xf32>
      %parallel_loop3A_210 = vector.shape_cast %parallel_loop3A_205 : vector<16xf32> to vector<1x16xf32>
      tpu.vector_store %arg8[%parallel_loop3A_206, %parallel_loop3A_207], %parallel_loop3A_210 {strides = array<i32>} : memref<128x128xf32, #tpu.memory_space<vmem>>, vector<1x16xf32>,
    } {sc.loop_unroll_factor = 4 : i64, sc.parallel_access}
    %add3A_80 = arith.constant 25344 : i32
    %add3A_81 = arith.addi %mul3A_4, %add3A_80 : i32
    %dma_start3A_82 = arith.constant 0 : i32
    %dma_start3A_83 = tpu.memref_slice %arg4[%add3A_81, %dma_start3A_82] : memref<819200x128xf32, #tpu.memory_space<hbm>> -> memref<128x128xf32, #tpu.memory_space<hbm>>
    %dma_start3A_84 = arith.constant 0 : i32
    %dma_start3A_85 = tpu.memref_slice %arg4[%add3A_81, %dma_start3A_84] : memref<819200x128xf32, #tpu.memory_space<hbm>> -> memref<128x128xf32, #tpu.memory_space<hbm>>
    tpu.enqueue_dma source(%arg8 : memref<128x128xf32, #tpu.memory_space<vmem>>) target(%dma_start3A_85 : memref<128x128xf32, #tpu.memory_space<hbm>>) target_semaphore(%arg12 : memref<!tpu.dma_semaphore, #tpu.memory_space<semaphore_mem>>)
    %dma_wait3A_86 = arith.constant 0 : i32
    %dma_wait3A_87 = arith.constant 0 : i32
    %dma_wait3A_88 = tpu.memref_slice %arg5[%dma_wait3A_86, %dma_wait3A_87] : memref<200x128xi32, #tpu.memory_space<vmem>> -> memref<1x128xi32, #tpu.memory_space<vmem>>
    %dma_wait3A_89 = tpu.memref_squeeze %dma_wait3A_88 : memref<1x128xi32, #tpu.memory_space<vmem>> -> memref<128xi32, #tpu.memory_space<vmem>>
    %dma_wait3A_90 = arith.constant 0 : i32
    %dma_wait3A_91 = arith.constant 0 : i32
    %dma_wait3A_92 = tpu.memref_slice %arg3[%dma_wait3A_90, %dma_wait3A_91] : memref<100000x128xf32, #tpu.memory_space<hbm>> -> memref<100000x128xf32, #tpu.memory_space<hbm>>
    tpu.wait_indirect_dma semaphore(%arg11 : memref<!tpu.dma_semaphore, #tpu.memory_space<semaphore_mem>>) src(%dma_wait3A_92 : memref<100000x128xf32, #tpu.memory_space<hbm>>) dst(%arg7 : memref<128x128xf32, #tpu.memory_space<vmem>>)
    %dma_wait3A_93 = arith.constant 0 : i32
    %dma_wait3A_94 = tpu.memref_slice %arg4[%mul3A_4, %dma_wait3A_93] : memref<819200x128xf32, #tpu.memory_space<hbm>> -> memref<128x128xf32, #tpu.memory_space<hbm>>
    %dma_wait3A_95 = arith.constant 0 : i32
    %dma_wait3A_96 = tpu.memref_slice %arg4[%mul3A_4, %dma_wait3A_95] : memref<819200x128xf32, #tpu.memory_space<hbm>> -> memref<128x128xf32, #tpu.memory_space<hbm>>
    tpu.wait_dma2 semaphore(%arg13 : memref<!tpu.dma_semaphore, #tpu.memory_space<semaphore_mem>>) src(%arg9 : memref<128x128xf32, #tpu.memory_space<vmem>>) dst(%dma_wait3A_96 : memref<128x128xf32, #tpu.memory_space<hbm>>)
    %parallel_loop3A_97 = arith.constant 0 : i32
    %parallel_loop3A_98 = arith.constant 128 : i32
    %parallel_loop3A_99 = arith.constant 1 : i32
    scf.for %parallel_loop3A_114 = %parallel_loop3A_97 to %parallel_loop3A_98 step %parallel_loop3A_99  : i32 {
      %parallel_loop3A_115 = arith.index_cast %parallel_loop3A_114 : i32 to index
      %parallel_loop3A_116 = arith.constant 0 : index
      %parallel_loop3A_117 = tpu.vector_load %arg7[%parallel_loop3A_115, %parallel_loop3A_116] {strides = array<i32>} : memref<128x128xf32, #tpu.memory_space<vmem>>, vector<1x16xf32>,
      %parallel_loop3A_118 = vector.shape_cast %parallel_loop3A_117 : vector<1x16xf32> to vector<16xf32>
      %parallel_loop3A_119 = arith.constant 11.3137083 : f32
      %parallel_loop3A_120 = vector.broadcast %parallel_loop3A_119 : f32 to vector<16xf32>
      %parallel_loop3A_121 = arith.mulf %parallel_loop3A_118, %parallel_loop3A_120 : vector<16xf32>
      %parallel_loop3A_122 = arith.index_cast %parallel_loop3A_114 : i32 to index
      %parallel_loop3A_123 = arith.constant 0 : index
      %parallel_loop3A_124 = tpu.vector_load %arg9[%parallel_loop3A_122, %parallel_loop3A_123] {strides = array<i32>} : memref<128x128xf32, #tpu.memory_space<vmem>>, vector<1x16xf32>,
      %parallel_loop3A_125 = vector.shape_cast %parallel_loop3A_124 : vector<1x16xf32> to vector<16xf32>
      %parallel_loop3A_126 = vector.shape_cast %parallel_loop3A_121 : vector<16xf32> to vector<1x16xf32>
      tpu.vector_store %arg9[%parallel_loop3A_122, %parallel_loop3A_123], %parallel_loop3A_126 {strides = array<i32>} : memref<128x128xf32, #tpu.memory_space<vmem>>, vector<1x16xf32>,
      %parallel_loop3A_127 = arith.index_cast %parallel_loop3A_114 : i32 to index
      %parallel_loop3A_128 = arith.constant 16 : index
      %parallel_loop3A_129 = tpu.vector_load %arg7[%parallel_loop3A_127, %parallel_loop3A_128] {strides = array<i32>} : memref<128x128xf32, #tpu.memory_space<vmem>>, vector<1x16xf32>,
      %parallel_loop3A_130 = vector.shape_cast %parallel_loop3A_129 : vector<1x16xf32> to vector<16xf32>
      %parallel_loop3A_131 = arith.constant 11.3137083 : f32
      %parallel_loop3A_132 = vector.broadcast %parallel_loop3A_131 : f32 to vector<16xf32>
      %parallel_loop3A_133 = arith.mulf %parallel_loop3A_130, %parallel_loop3A_132 : vector<16xf32>
      %parallel_loop3A_134 = arith.index_cast %parallel_loop3A_114 : i32 to index
      %parallel_loop3A_135 = arith.constant 16 : index
      %parallel_loop3A_136 = tpu.vector_load %arg9[%parallel_loop3A_134, %parallel_loop3A_135] {strides = array<i32>} : memref<128x128xf32, #tpu.memory_space<vmem>>, vector<1x16xf32>,
      %parallel_loop3A_137 = vector.shape_cast %parallel_loop3A_136 : vector<1x16xf32> to vector<16xf32>
      %parallel_loop3A_138 = vector.shape_cast %parallel_loop3A_133 : vector<16xf32> to vector<1x16xf32>
      tpu.vector_store %arg9[%parallel_loop3A_134, %parallel_loop3A_135], %parallel_loop3A_138 {strides = array<i32>} : memref<128x128xf32, #tpu.memory_space<vmem>>, vector<1x16xf32>,
      %parallel_loop3A_139 = arith.index_cast %parallel_loop3A_114 : i32 to index
      %parallel_loop3A_140 = arith.constant 32 : index
      %parallel_loop3A_141 = tpu.vector_load %arg7[%parallel_loop3A_139, %parallel_loop3A_140] {strides = array<i32>} : memref<128x128xf32, #tpu.memory_space<vmem>>, vector<1x16xf32>,
      %parallel_loop3A_142 = vector.shape_cast %parallel_loop3A_141 : vector<1x16xf32> to vector<16xf32>
      %parallel_loop3A_143 = arith.constant 11.3137083 : f32
      %parallel_loop3A_144 = vector.broadcast %parallel_loop3A_143 : f32 to vector<16xf32>
      %parallel_loop3A_145 = arith.mulf %parallel_loop3A_142, %parallel_loop3A_144 : vector<16xf32>
      %parallel_loop3A_146 = arith.index_cast %parallel_loop3A_114 : i32 to index
      %parallel_loop3A_147 = arith.constant 32 : index
      %parallel_loop3A_148 = tpu.vector_load %arg9[%parallel_loop3A_146, %parallel_loop3A_147] {strides = array<i32>} : memref<128x128xf32, #tpu.memory_space<vmem>>, vector<1x16xf32>,
      %parallel_loop3A_149 = vector.shape_cast %parallel_loop3A_148 : vector<1x16xf32> to vector<16xf32>
      %parallel_loop3A_150 = vector.shape_cast %parallel_loop3A_145 : vector<16xf32> to vector<1x16xf32>
      tpu.vector_store %arg9[%parallel_loop3A_146, %parallel_loop3A_147], %parallel_loop3A_150 {strides = array<i32>} : memref<128x128xf32, #tpu.memory_space<vmem>>, vector<1x16xf32>,
      %parallel_loop3A_151 = arith.index_cast %parallel_loop3A_114 : i32 to index
      %parallel_loop3A_152 = arith.constant 48 : index
      %parallel_loop3A_153 = tpu.vector_load %arg7[%parallel_loop3A_151, %parallel_loop3A_152] {strides = array<i32>} : memref<128x128xf32, #tpu.memory_space<vmem>>, vector<1x16xf32>,
      %parallel_loop3A_154 = vector.shape_cast %parallel_loop3A_153 : vector<1x16xf32> to vector<16xf32>
      %parallel_loop3A_155 = arith.constant 11.3137083 : f32
      %parallel_loop3A_156 = vector.broadcast %parallel_loop3A_155 : f32 to vector<16xf32>
      %parallel_loop3A_157 = arith.mulf %parallel_loop3A_154, %parallel_loop3A_156 : vector<16xf32>
      %parallel_loop3A_158 = arith.index_cast %parallel_loop3A_114 : i32 to index
      %parallel_loop3A_159 = arith.constant 48 : index
      %parallel_loop3A_160 = tpu.vector_load %arg9[%parallel_loop3A_158, %parallel_loop3A_159] {strides = array<i32>} : memref<128x128xf32, #tpu.memory_space<vmem>>, vector<1x16xf32>,
      %parallel_loop3A_161 = vector.shape_cast %parallel_loop3A_160 : vector<1x16xf32> to vector<16xf32>
      %parallel_loop3A_162 = vector.shape_cast %parallel_loop3A_157 : vector<16xf32> to vector<1x16xf32>
      tpu.vector_store %arg9[%parallel_loop3A_158, %parallel_loop3A_159], %parallel_loop3A_162 {strides = array<i32>} : memref<128x128xf32, #tpu.memory_space<vmem>>, vector<1x16xf32>,
      %parallel_loop3A_163 = arith.index_cast %parallel_loop3A_114 : i32 to index
      %parallel_loop3A_164 = arith.constant 64 : index
      %parallel_loop3A_165 = tpu.vector_load %arg7[%parallel_loop3A_163, %parallel_loop3A_164] {strides = array<i32>} : memref<128x128xf32, #tpu.memory_space<vmem>>, vector<1x16xf32>,
      %parallel_loop3A_166 = vector.shape_cast %parallel_loop3A_165 : vector<1x16xf32> to vector<16xf32>
      %parallel_loop3A_167 = arith.constant 11.3137083 : f32
      %parallel_loop3A_168 = vector.broadcast %parallel_loop3A_167 : f32 to vector<16xf32>
      %parallel_loop3A_169 = arith.mulf %parallel_loop3A_166, %parallel_loop3A_168 : vector<16xf32>
      %parallel_loop3A_170 = arith.index_cast %parallel_loop3A_114 : i32 to index
      %parallel_loop3A_171 = arith.constant 64 : index
      %parallel_loop3A_172 = tpu.vector_load %arg9[%parallel_loop3A_170, %parallel_loop3A_171] {strides = array<i32>} : memref<128x128xf32, #tpu.memory_space<vmem>>, vector<1x16xf32>,
      %parallel_loop3A_173 = vector.shape_cast %parallel_loop3A_172 : vector<1x16xf32> to vector<16xf32>
      %parallel_loop3A_174 = vector.shape_cast %parallel_loop3A_169 : vector<16xf32> to vector<1x16xf32>
      tpu.vector_store %arg9[%parallel_loop3A_170, %parallel_loop3A_171], %parallel_loop3A_174 {strides = array<i32>} : memref<128x128xf32, #tpu.memory_space<vmem>>, vector<1x16xf32>,
      %parallel_loop3A_175 = arith.index_cast %parallel_loop3A_114 : i32 to index
      %parallel_loop3A_176 = arith.constant 80 : index
      %parallel_loop3A_177 = tpu.vector_load %arg7[%parallel_loop3A_175, %parallel_loop3A_176] {strides = array<i32>} : memref<128x128xf32, #tpu.memory_space<vmem>>, vector<1x16xf32>,
      %parallel_loop3A_178 = vector.shape_cast %parallel_loop3A_177 : vector<1x16xf32> to vector<16xf32>
      %parallel_loop3A_179 = arith.constant 11.3137083 : f32
      %parallel_loop3A_180 = vector.broadcast %parallel_loop3A_179 : f32 to vector<16xf32>
      %parallel_loop3A_181 = arith.mulf %parallel_loop3A_178, %parallel_loop3A_180 : vector<16xf32>
      %parallel_loop3A_182 = arith.index_cast %parallel_loop3A_114 : i32 to index
      %parallel_loop3A_183 = arith.constant 80 : index
      %parallel_loop3A_184 = tpu.vector_load %arg9[%parallel_loop3A_182, %parallel_loop3A_183] {strides = array<i32>} : memref<128x128xf32, #tpu.memory_space<vmem>>, vector<1x16xf32>,
      %parallel_loop3A_185 = vector.shape_cast %parallel_loop3A_184 : vector<1x16xf32> to vector<16xf32>
      %parallel_loop3A_186 = vector.shape_cast %parallel_loop3A_181 : vector<16xf32> to vector<1x16xf32>
      tpu.vector_store %arg9[%parallel_loop3A_182, %parallel_loop3A_183], %parallel_loop3A_186 {strides = array<i32>} : memref<128x128xf32, #tpu.memory_space<vmem>>, vector<1x16xf32>,
      %parallel_loop3A_187 = arith.index_cast %parallel_loop3A_114 : i32 to index
      %parallel_loop3A_188 = arith.constant 96 : index
      %parallel_loop3A_189 = tpu.vector_load %arg7[%parallel_loop3A_187, %parallel_loop3A_188] {strides = array<i32>} : memref<128x128xf32, #tpu.memory_space<vmem>>, vector<1x16xf32>,
      %parallel_loop3A_190 = vector.shape_cast %parallel_loop3A_189 : vector<1x16xf32> to vector<16xf32>
      %parallel_loop3A_191 = arith.constant 11.3137083 : f32
      %parallel_loop3A_192 = vector.broadcast %parallel_loop3A_191 : f32 to vector<16xf32>
      %parallel_loop3A_193 = arith.mulf %parallel_loop3A_190, %parallel_loop3A_192 : vector<16xf32>
      %parallel_loop3A_194 = arith.index_cast %parallel_loop3A_114 : i32 to index
      %parallel_loop3A_195 = arith.constant 96 : index
      %parallel_loop3A_196 = tpu.vector_load %arg9[%parallel_loop3A_194, %parallel_loop3A_195] {strides = array<i32>} : memref<128x128xf32, #tpu.memory_space<vmem>>, vector<1x16xf32>,
      %parallel_loop3A_197 = vector.shape_cast %parallel_loop3A_196 : vector<1x16xf32> to vector<16xf32>
      %parallel_loop3A_198 = vector.shape_cast %parallel_loop3A_193 : vector<16xf32> to vector<1x16xf32>
      tpu.vector_store %arg9[%parallel_loop3A_194, %parallel_loop3A_195], %parallel_loop3A_198 {strides = array<i32>} : memref<128x128xf32, #tpu.memory_space<vmem>>, vector<1x16xf32>,
      %parallel_loop3A_199 = arith.index_cast %parallel_loop3A_114 : i32 to index
      %parallel_loop3A_200 = arith.constant 112 : index
      %parallel_loop3A_201 = tpu.vector_load %arg7[%parallel_loop3A_199, %parallel_loop3A_200] {strides = array<i32>} : memref<128x128xf32, #tpu.memory_space<vmem>>, vector<1x16xf32>,
      %parallel_loop3A_202 = vector.shape_cast %parallel_loop3A_201 : vector<1x16xf32> to vector<16xf32>
      %parallel_loop3A_203 = arith.constant 11.3137083 : f32
      %parallel_loop3A_204 = vector.broadcast %parallel_loop3A_203 : f32 to vector<16xf32>
      %parallel_loop3A_205 = arith.mulf %parallel_loop3A_202, %parallel_loop3A_204 : vector<16xf32>
      %parallel_loop3A_206 = arith.index_cast %parallel_loop3A_114 : i32 to index
      %parallel_loop3A_207 = arith.constant 112 : index
      %parallel_loop3A_208 = tpu.vector_load %arg9[%parallel_loop3A_206, %parallel_loop3A_207] {strides = array<i32>} : memref<128x128xf32, #tpu.memory_space<vmem>>, vector<1x16xf32>,
      %parallel_loop3A_209 = vector.shape_cast %parallel_loop3A_208 : vector<1x16xf32> to vector<16xf32>
      %parallel_loop3A_210 = vector.shape_cast %parallel_loop3A_205 : vector<16xf32> to vector<1x16xf32>
      tpu.vector_store %arg9[%parallel_loop3A_206, %parallel_loop3A_207], %parallel_loop3A_210 {strides = array<i32>} : memref<128x128xf32, #tpu.memory_space<vmem>>, vector<1x16xf32>,
    } {sc.loop_unroll_factor = 4 : i64, sc.parallel_access}
    %add3A_100 = arith.constant 25472 : i32
    %add3A_101 = arith.addi %mul3A_4, %add3A_100 : i32
    %dma_start3A_102 = arith.constant 0 : i32
    %dma_start3A_103 = tpu.memref_slice %arg4[%add3A_101, %dma_start3A_102] : memref<819200x128xf32, #tpu.memory_space<hbm>> -> memref<128x128xf32, #tpu.memory_space<hbm>>
    %dma_start3A_104 = arith.constant 0 : i32
    %dma_start3A_105 = tpu.memref_slice %arg4[%add3A_101, %dma_start3A_104] : memref<819200x128xf32, #tpu.memory_space<hbm>> -> memref<128x128xf32, #tpu.memory_space<hbm>>
    tpu.enqueue_dma source(%arg9 : memref<128x128xf32, #tpu.memory_space<vmem>>) target(%dma_start3A_105 : memref<128x128xf32, #tpu.memory_space<hbm>>) target_semaphore(%arg13 : memref<!tpu.dma_semaphore, #tpu.memory_space<semaphore_mem>>)
    %dma_wait3A_106 = arith.constant 0 : i32
    %dma_wait3A_107 = tpu.memref_slice %arg4[%mul3A_4, %dma_wait3A_106] : memref<819200x128xf32, #tpu.memory_space<hbm>> -> memref<128x128xf32, #tpu.memory_space<hbm>>
    %dma_wait3A_108 = arith.constant 0 : i32
    %dma_wait3A_109 = tpu.memref_slice %arg4[%mul3A_4, %dma_wait3A_108] : memref<819200x128xf32, #tpu.memory_space<hbm>> -> memref<128x128xf32, #tpu.memory_space<hbm>>
    tpu.wait_dma2 semaphore(%arg12 : memref<!tpu.dma_semaphore, #tpu.memory_space<semaphore_mem>>) src(%arg8 : memref<128x128xf32, #tpu.memory_space<vmem>>) dst(%dma_wait3A_109 : memref<128x128xf32, #tpu.memory_space<hbm>>)
    %dma_wait3A_110 = arith.constant 0 : i32
    %dma_wait3A_111 = tpu.memref_slice %arg4[%mul3A_4, %dma_wait3A_110] : memref<819200x128xf32, #tpu.memory_space<hbm>> -> memref<128x128xf32, #tpu.memory_space<hbm>>
    %dma_wait3A_112 = arith.constant 0 : i32
    %dma_wait3A_113 = tpu.memref_slice %arg4[%mul3A_4, %dma_wait3A_112] : memref<819200x128xf32, #tpu.memory_space<hbm>> -> memref<128x128xf32, #tpu.memory_space<hbm>>
    tpu.wait_dma2 semaphore(%arg13 : memref<!tpu.dma_semaphore, #tpu.memory_space<semaphore_mem>>) src(%arg9 : memref<128x128xf32, #tpu.memory_space<vmem>>) dst(%dma_wait3A_113 : memref<128x128xf32, #tpu.memory_space<hbm>>)
    return
  }
}

</mosaic_0001>

<sc_bundles>
// kernel: kernel.3.cloned.1.call-start
scs
__scs_entry_jumppad:
0x0: {  	(pc) =	sbr.rel $0x88, $3  }
0x1: {  	(tag) =	ssettag $0x0;
	lr =	simm.s32 $0x1  }
0x2: {  	[smem:$0x3F9F] =	sst lr;
	_ =	strace $0xD0000000  }
0x3: {  	_ = 	snop  }
0x4: {  	_ = 	snop  }
0x5: {  	_ = 	snop  }
0x6: {  	_ = 	snop  }
0x7: {  	_ = 	snop  }
__scs_overlays_trampoline_lowered:
0x8: {  	[smem:$0x3FAE] =	sst s0  }
0x9: {  	[smem:$0x3FAF] =	sst s1  }
0xa: {  	[smem:$0x3FB0] =	sst s2  }
0xb: {  	[smem:$0x3FB1] =	sst s3  }
0xc: {  	[smem:$0x3FB2] =	sst s4  }
0xd: {  	[smem:$0x3FB3] =	sst s5  }
0xe: {  	[smem:$0x3FB4] =	sst s6  }
0xf: {  	[smem:$0x3FB5] =	sst s7  }
0x10: {  	[smem:$0x3FB6] =	sst s8  }
0x11: {  	[smem:$0x3FB7] =	sst s9;
	s0 =	simm.s32 @!p0 $0x0  }
0x12: {  	s1 =	sld [smem:$0x3F9D];
	s0 =	simm.s32 @p0 $0x1  }
0x13: {  	[smem:$0x3FB8] =	sst s0;
	s0 =	simm.s32 @!p1 $0x0  }
0x14: {  	s2 =	sld [smem:$0x3F9C];
	s0 =	simm.s32 @p1 $0x1  }
0x15: {  	[smem:$0x3FB9] =	sst s0;
	s0 =	simm.s32 @!p2 $0x0  }
0x16: {  	s3 =	sld [smem:$0x3FDB];
	s0 =	simm.s32 @p2 $0x1  }
0x17: {  	s4 =	simm.s32 $0x1BF5;
	[smem:$0x3FBB] =	sst s0  }
0x18: {  	s0 =	sld [smem:$0x3F9E];
	_ =	swait.ge [sflag:s4], $0x0  }
0x19: {  	s7 =	sld [smem:$0x3F9F]  }
0x1a: {  	s8 =	sadd.s32 $0xFFFFE003, lr  }
0x1b: {  	s9 =	sadd.s32 $0xFFFFFEF7, lr;
	s5 =	simm.s32 $0xFFFFFFFF;
	p2 =	slt.u32 s8, $0xFFFFF086  }
0x1c: {  	p1 =	slt.u32 s9, $0xF7A;
	s5 =	simm.s32 @!p2 $0x0  }
0x1d: {  	s5 =	simm.s32 @p1 $0x1;
	p0 =	seq.s32 s7, s2  }
0x1e: {  	s7 =	smul.u32 @!p0 $0xF7A, s2;
	p2 =	seq.s32 @!p0 s5, $0x0  }
0x1f: {  	s9 =	smul.u32 $0xF7A, s1;
	s8 =	simm.s32 @!p0 $0x1BF5;
	p2 =	por !p2, p0  }
0x20: {  	[sflag:s8] =	ssyncset.s32 @!p0 $0xFFFFF086;
	s6 =	sadd.s32 @!p0 s3, s7;
	s7 =	simm.s32 @!p0 $0x108  }
0x21: {  	s3 =	sadd.s32 s3, s9;
	s6 =	sadd.s32 @!p0 $0x88, s6;
	s7 =	simm.s32 @p2 $0x1082  }
0x22: {  	[simem:s7], [sflag:s8] =	dma.local @!p0 [hbm:s6], $0xF7A  }
0x23: {  	s9 =	sor.u32 $0xD0000000, s2;
	s6 =	simm.s32 $0x108;
	_ =	swait.ge @!p0 [sflag:s8], $0x0  }
0x24: {  	s3 =	sadd.s32 $0x88, s3;
	s6 =	simm.s32 @!p1 $0x1082;
	[sflag:s4] =	ssyncset.s32 $0xFFFFF086  }
0x25: {  	[simem:s6], [sflag:s4] =	dma.local [hbm:s3], $0xF7A  }
0x26: {  	[smem:$0x3F9F] =	sst s1;
	(tag) =	ssettag s2;
	_ =	strace s9  }
0x27: {  	s1 =	sld [smem:$0x3FAF]  }
0x28: {  	s2 =	sld [smem:$0x3FB0]  }
0x29: {  	s4 =	sld [smem:$0x3FB2]  }
0x2a: {  	p0 =	seq.s32 s5, $0x0;
	s5 =	sld [smem:$0x3FB3]  }
0x2b: {  	s6 =	sld [smem:$0x3FB4]  }
0x2c: {  	s7 =	sld [smem:$0x3FB5]  }
0x2d: {  	s3 =	simm.s32 $0x108;
	s8 =	sld [smem:$0x3FB6]  }
0x2e: {  	s3 =	simm.s32 @!p0 $0x1082;
	s9 =	sld [smem:$0x3FB7]  }
0x2f: {  	lr =	sadd.s32 s0, s3;
	s0 =	sld [smem:$0x3FAE]  }
0x30: {  	s3 =	sld [smem:$0x3FB1]  }
0x31: {  	[smem:$0x3FBA] =	sst s10  }
0x32: {  	s10 =	sld [smem:$0x3FB8];
	_ =	sdelay $0x3  }
0x33: {  	p0 =	seq.s32 s10, $0x1;
	s10 =	sld [smem:$0x3FBA];
	_ =	sdelay $0x3  }
0x34: {  	[smem:$0x3FBA] =	sst s10  }
0x35: {  	s10 =	sld [smem:$0x3FB9];
	_ =	sdelay $0x3  }
0x36: {  	p1 =	seq.s32 s10, $0x1;
	s10 =	sld [smem:$0x3FBA];
	_ =	sdelay $0x3  }
0x37: {  	[smem:$0x3FBA] =	sst s10  }
0x38: {  	s10 =	sld [smem:$0x3FBB]  }
0x39: {  	_ = 	snop;
	(pc) =	sbr.ind lr, $3  }
0x3a: {  	_ = 	snop  }
0x3b: {  	_ = 	snop  }
0x3c: {  	p2 =	seq.s32 s10, $0x1;
	s10 =	sld [smem:$0x3FBA]  }
0x3d: {  	_ =	shalt  }
0x3e: {  	_ =	shalt  }
0x3f: {  	_ =	shalt  }
0x40: {  	_ =	shalt  }
0x41: {  	_ =	shalt  }
0x42: {  	_ =	shalt  }
0x43: {  	_ =	shalt  }
0x44: {  	_ =	shalt  }
0x45: {  	_ =	shalt  }
0x46: {  	_ =	shalt  }
0x47: {  	_ =	shalt  }
0x48: {  	_ =	shalt  }
0x49: {  	_ =	shalt  }
0x4a: {  	_ =	shalt  }
0x4b: {  	_ =	shalt  }
0x4c: {  	_ =	shalt  }
0x4d: {  	_ =	shalt  }
0x4e: {  	_ =	shalt  }
0x4f: {  	_ =	shalt  }
0x50: {  	_ =	shalt  }
0x51: {  	_ =	shalt  }
0x52: {  	_ =	shalt  }
0x53: {  	_ =	shalt  }
0x54: {  	_ =	shalt  }
0x55: {  	_ =	shalt  }
0x56: {  	_ =	shalt  }
0x57: {  	_ =	shalt  }
0x58: {  	_ =	shalt  }
0x59: {  	_ =	shalt  }
0x5a: {  	_ =	shalt  }
0x5b: {  	_ =	shalt  }
0x5c: {  	_ =	shalt  }
0x5d: {  	_ =	shalt  }
0x5e: {  	_ =	shalt  }
0x5f: {  	_ =	shalt  }
0x60: {  	_ =	shalt  }
0x61: {  	_ =	shalt  }
0x62: {  	_ =	shalt  }
0x63: {  	_ =	shalt  }
0x64: {  	_ =	shalt  }
0x65: {  	_ =	shalt  }
0x66: {  	_ =	shalt  }
0x67: {  	_ =	shalt  }
0x68: {  	_ =	shalt  }
0x69: {  	_ =	shalt  }
0x6a: {  	_ =	shalt  }
0x6b: {  	_ =	shalt  }
0x6c: {  	_ =	shalt  }
0x6d: {  	_ =	shalt  }
0x6e: {  	_ =	shalt  }
0x6f: {  	_ =	shalt  }
0x70: {  	_ =	shalt  }
0x71: {  	_ =	shalt  }
0x72: {  	_ =	shalt  }
0x73: {  	_ =	shalt  }
0x74: {  	_ =	shalt  }
0x75: {  	_ =	shalt  }
0x76: {  	_ =	shalt  }
0x77: {  	_ =	shalt  }
0x78: {  	_ =	shalt  }
0x79: {  	_ =	shalt  }
0x7a: {  	_ =	shalt  }
0x7b: {  	_ =	shalt  }
0x7c: {  	_ =	shalt  }
0x7d: {  	_ =	shalt  }
0x7e: {  	_ =	shalt  }
0x7f: {  	_ =	shalt  }
0x80: {  	_ =	shalt  }
0x81: {  	_ =	shalt  }
0x82: {  	_ =	shalt  }
0x83: {  	_ =	shalt  }
0x84: {  	_ =	shalt  }
0x85: {  	_ =	shalt  }
0x86: {  	_ =	shalt  }
0x87: {  	_ =	shalt  }
.Lfunc_end0:
.L_simem_size_0:
called_computation_lowered:
.L_overlay_start_0:
0x88: {  	s2 =	sld [smem:$0x3FD9]  }
0x89: {  	s3 =	sld [smem:$0x3FFE];
	_ =	sdelay $0x1  }
0x8a: {  	s1 =	srdreg.scid  }
0x8b: {  	s0 =	sand.u32 $0x1, s1  }
0x8c: {  	s17 =	sshll.u32 s0, $0xA;
	s2 =	sadd.s32 s3, s2  }
0x8d: {  	s2 =	sadd.s32 s2, s17  }
0x8e: {  	[smem:$0x3FC6] =	sst s2  }
0x8f: {  	_ = 	snop  }
0x90: {  	s2 =	sld [smem:$0x3FC8]  }
0x91: {  	s18 =	sld [smem:$0x3FD0];
	(tm) =	ssettm $0x1  }
0x92: {  	s4 =	sld [smem:$0x3FFB];
	_ =	sdelay $0x3  }
0x93: {  	_ =	strace s4  }
0x94: {  	s4 =	sld [smem:$0x3FFC];
	_ =	sdelay $0x3  }
0x95: {  	_ =	strace s4  }
0x96: {  	s4 =	sld [smem:$0x3FFD];
	_ =	sdelay $0x3  }
0x97: {  	_ =	strace s4  }
0x98: {  	_ =	strace $0x8FFFFFFF  }
0x99: {  	s19 =	sld [smem:$0x3FDB];
	_ =	sdelay $0x1  }
0x9a: {  	s5 =	simm.s32 $_scs_section_size  }
0x9b: {  	s6 =	simm.s32 $_size__tile_overlayer_lowered;
	s7 =	simm.s32 $_tile_overlayer_lowered  }
0x9c: {  	s22 =	simm.s32 $0x1BFF;
	s21 =	sshll.u32 s7, $0x1;
	s4 =	sadd.s32 s5, s19  }
0x9d: {  	s8 =	simm.s32 $0x0;
	s20 =	sshll.u32 s6, $0x1;
	s6 =	sadd.s32 s21, s4  }
0x9e: {  	[timem:s8], [sflag:s22] =	dma.local [hbm:s6], s20  }
0x9f: {  	_ =	swait.ge [sflag:s22], s20  }
0xa0: {  	s5 =	ssub.s32 $0x0, s20;
	[sflag:s22] =	ssyncset.done $0x0  }
0xa1: {  	[sflag:s22] =	ssyncadd.s32 s5;
	_ =	sdelay $0x1  }
0xa2: {  	s23 =	simm.s32 $0x1B8B  }
0xa3: {  	_ =	swait.ge [sflag:s23], $0x1  }
0xa4: {  	[sflag:s23] =	ssyncset.done $0x0  }
0xa5: {  	s25 =	simm.s32 $0x1B8E;
	s24 =	sld [smem:$0x3FFE];
	[sflag:s23] =	ssyncadd.s32 $0xFFFFFFFF  }
0xa6: {  	s26 =	simm.s32 $execute0_lowered;
	[smem:$0x3FD2] =	sst s25  }
0xa7: {  	s6 =	sshll.u32 s26, $0x1;
	_ =	strace $0x80000046;
	[dreg:$0x1] =	wrdreg $0xFFFFFFFF  }
0xa8: {  	s28 =	simm.s32 $_size_execute0_lowered;
	s4 =	sadd.s32 s4, s6;
	[dreg:$0x0] =	wrdreg $0x0  }
0xa9: {  	s6 =	sshll.u32 s28, $0x1;
	[dreg:$0x2] =	wrdreg s4  }
0xaa: {  	[dreg:$0x3] =	wrdreg s6  }
0xab: {  	[dreg:$0x4] =	wrdreg $0xC0  }
0xac: {  	_ =	task [dreg:s8], $0x5FFFF  }
0xad: {  	[dreg:$0x1] =	wrdreg $0xFFFFFFFF  }
0xae: {  	[dreg:$0x0] =	wrdreg $0x60  }
0xaf: {  	[dreg:$0x2] =	wrdreg s24  }
0xb0: {  	[dreg:$0x3] =	wrdreg s2  }
0xb1: {  	[dreg:$0x4] =	wrdreg s18  }
0xb2: {  	[dreg:$0x5] =	wrdreg $0x9  }
0xb3: {  	_ =	task.clear_ibuf [dreg:s8], $0x6FFFF;
	_ =	strace $0x90000046  }
0xb4: {  	s29 =	simm.s32 $0x9;
	_ =	strace $0x80000048  }
0xb5: {  	_ =	swait.ge [sflag:s29], $0x1  }
0xb6: {  	[sflag:s29] =	ssyncadd.s32 $0xFFFFFFFF  }
0xb7: {  	_ =	strace $0x90000048  }
0xb8: {  	_ =	sfence  }
0xb9: {  	s30 =	sld [smem:$0x0];
	_ =	sdelay $0x2  }
0xba: {  	s31 =	sshll.u32 s1, $0xD;
	s1 =	sshrl.u32 s1, $0x2  }
0xbb: {  	s3 =	sand.u32 $0x4000, s31;
	s1 =	sadd.s32 s1, s30  }
0xbc: {  	s0 =	sor.u32 s3, s0;
	s1 =	sshll.u32 s1, $0x11  }
0xbd: {  	s0 =	sor.u32 s1, s0  }
0xbe: {  	s0 =	sadd.s32 $0x8F2B, s0  }
0xbf: {  	[sflag:s0] =	ssyncadd.remote.s32 $0x1  }
0xc0: {  	_ =	sfence.sel $0xFFFF  }
0xc1: {  	[dreg:$0x0] =	wrdreg $0xFFFFFFFF;
	(pc) =	sbr.abs _section_cstart, $3  }
0xc2: {  	[dreg:$0x1] =	wrdreg $0xFFFFFFFF  }
0xc3: {  	_ =	task.clear_ibuf [dreg:s8], $0x2FFFF;
	_ =	strace $0x9FFFFFFF  }
0xc4: {  	(tm) =	ssettm $0x7FFFFFFF  }
0xc5: {  	_ =	shalt  }
tec
execute0_lowered:
.L_overlay_start_1:
0x0: {  	(tag) =	ssettag $0x1  }
0x1: {  	s0 =	rddreg [dreg:$0x0]  }
0x2: {  	s1 =	srdreg.scid;
	s3 =	stileid.u32  }
0x3: {  	s2 =	rddreg [dreg:$0x1];
	s12 =	simm.s32 $0x5;
	s13 =	simm.s32 $0x80  }
0x4: {  	s14 =	simm.s32 $0x6400;
	s15 =	simm.s32 $0xA400;
	s16 =	simm.s32 $0x1  }
0x5: {  	s17 =	simm.s32 $0xE400;
	s18 =	simm.s32 $0x100;
	s19 =	simm.s32 $0x2  }
0x6: {  	s20 =	simm.s32 $0x12400;
	s1 =	sand.u32 $0x1, s1;
	s4 =	sshll.u32 s3, $0x1  }
0x7: {  	s21 =	simm.s32 $0x180;
	s22 =	simm.s32 $0x3;
	s6 =	sor.u32 s1, s4  }
0x8: {  	s23 =	simm.s32 $0x4;
	s24 =	simm.s32 $0x0;
	s7 =	smul.u32 $0xC80, s6  }
0x9: {  	s4 =	simm.s32 $0x0;
	s1 =	ssub.s32 $0x2, s1;
	s5 =	smul.u32 $0x320000, s6  }
0xa: {  	[smem:$0x7FF] =	sst s4;
	s6 =	smul.u32 $0x64000, s6;
	s31 =	sshrl.u32 s1, $0x1  }
0xb: {  	s3 =	rddreg [dreg:$0x2];
	_ =	strace $0x80000047;
	s1 =	ssub.s32 s1, s31  }
0xc: {  	s0 =	sadd.s32 s7, s0;
	s8 =	sshrl.u32 s5, $0x3;
	s6 =	sadd.s32 s3, s6  }
0xd: {  	s11 =	smax.u32 s1, $0x1;
	s10 =	sadd.s32 s3, s8;
	s7 =	sadd.s32 $0x400, s0  }
0xe: {  	s8 =	sadd.s32 $0x800, s6;
	s9 =	sadd.s32 $0x63000, s10;
	s10 =	sadd.s32 $0x63800, s10  }
.LBB2_1:
0xf: {  	[tilespmem:s4], [sflag:$0x5] =	stream.linear.gather [hbm4b:s7+s4], $0x6400, $0x38;
	[tilespmem:$0x16400] =	vst v63  }
0x10: {  	_ =	swait.ge [sflag:s12], $0x6400  }
0x11: {  	[sflag:s12] =	ssyncset.done $0x0  }
0x12: {  	[sflag:s12] =	ssyncadd.s32 $0xFFFF9C00  }
0x13: {  	[tilespmem:s14], [sflag:$0x1] =	stream.indirect.gather [hbm4b:s2+s13], $0x80, s4, s13, $0xb8;
	[tilespmem:$0x16400] =	vst v63  }
0x14: {  	_ = 	snop  }
0x15: {  	[tilespmem:s15], [sflag:$0x2] =	stream.indirect.gather [hbm4b:s2+s13], $0x80, s13, s13, $0xb8;
	[tilespmem:$0x16400] =	vst v63  }
0x16: {  	_ =	swait.ge [sflag:s16], $0x4000  }
0x17: {  	[sflag:s16] =	ssyncset.done $0x0  }
0x18: {  	s1 =	simm.s32 $0x6500;
	[sflag:s16] =	ssyncadd.s32 $0xFFFFC000  }
0x19: {  	v0 =	vld [tilespmem:s1+$0x80];
	_ =	sdelay $0x3  }
0x1a: {  	v1 =	vld [tilespmem:s1+$0xFFFFFF00]  }
0x1b: {  	v2 =	vld [tilespmem:s1+$0xFFFFFF80];
	v0 =	vmul.f32 $1.131370830e+01, v0  }
0x1c: {  	s25 =	simm.s32 $0xE500;
	v3 =	vld [tilespmem:s1+$0x0]  }
0x1d: {  	[tilespmem:s25+$0x80] =	vst v0  }
0x1e: {  	v0 =	vld [tilespmem:s1+$0x90]  }
0x1f: {  	v1 =	vmul.f32 $1.131370830e+01, v1  }
0x20: {  	v2 =	vmul.f32 $1.131370830e+01, v2  }
0x21: {  	v3 =	vmul.f32 $1.131370830e+01, v3;
	[tilespmem:s25+$0xFFFFFF00] =	vst v1  }
0x22: {  	[tilespmem:s25+$0xFFFFFF80] =	vst v2;
	v1 =	vld [tilespmem:s1+$0xFFFFFF10]  }
0x23: {  	[tilespmem:s25+$0x0] =	vst v3;
	v2 =	vld [tilespmem:s1+$0xFFFFFF90];
	v0 =	vmul.f32 $1.131370830e+01, v0  }
0x24: {  	v3 =	vld [tilespmem:s1+$0x10]  }
0x25: {  	[tilespmem:s25+$0x90] =	vst v0  }
0x26: {  	v0 =	vld [tilespmem:s1+$0xA0]  }
0x27: {  	v1 =	vmul.f32 $1.131370830e+01, v1  }
0x28: {  	v2 =	vmul.f32 $1.131370830e+01, v2  }
0x29: {  	v3 =	vmul.f32 $1.131370830e+01, v3;
	[tilespmem:s25+$0xFFFFFF10] =	vst v1  }
0x2a: {  	[tilespmem:s25+$0xFFFFFF90] =	vst v2;
	v1 =	vld [tilespmem:s1+$0xFFFFFF20]  }
0x2b: {  	[tilespmem:s25+$0x10] =	vst v3;
	v2 =	vld [tilespmem:s1+$0xFFFFFFA0];
	v0 =	vmul.f32 $1.131370830e+01, v0  }
0x2c: {  	v3 =	vld [tilespmem:s1+$0x20]  }
0x2d: {  	[tilespmem:s25+$0xA0] =	vst v0  }
0x2e: {  	v0 =	vld [tilespmem:s1+$0xB0]  }
0x2f: {  	v1 =	vmul.f32 $1.131370830e+01, v1  }
0x30: {  	v2 =	vmul.f32 $1.131370830e+01, v2  }
0x31: {  	v3 =	vmul.f32 $1.131370830e+01, v3;
	[tilespmem:s25+$0xFFFFFF20] =	vst v1  }
0x32: {  	[tilespmem:s25+$0xFFFFFFA0] =	vst v2;
	v1 =	vld [tilespmem:s1+$0xFFFFFF30]  }
0x33: {  	[tilespmem:s25+$0x20] =	vst v3;
	v2 =	vld [tilespmem:s1+$0xFFFFFFB0];
	v0 =	vmul.f32 $1.131370830e+01, v0  }
0x34: {  	s26 =	simm.s32 $0x6700;
	v3 =	vld [tilespmem:s1+$0x30]  }
0x35: {  	[tilespmem:s25+$0xB0] =	vst v0;
	v0 =	vld [tilespmem:s26+$0x80]  }
0x36: {  	v4 =	vld [tilespmem:s1+$0xC0]  }
0x37: {  	v5 =	vld [tilespmem:s26+$0xFFFFFF80];
	v1 =	vmul.f32 $1.131370830e+01, v1  }
0x38: {  	v6 =	vld [tilespmem:s26+$0x0];
	v2 =	vmul.f32 $1.131370830e+01, v2  }
0x39: {  	v3 =	vmul.f32 $1.131370830e+01, v3;
	[tilespmem:s25+$0xFFFFFF30] =	vst v1;
	v1 =	vld [tilespmem:s26+$0xFFFFFF00]  }
0x3a: {  	[tilespmem:s25+$0xFFFFFFB0] =	vst v2;
	v2 =	vld [tilespmem:s1+$0xFFFFFF40];
	v0 =	vmul.f32 $1.131370830e+01, v0  }
0x3b: {  	s28 =	simm.s32 $0xE700;
	[tilespmem:s25+$0x30] =	vst v3;
	v3 =	vld [tilespmem:s1+$0xFFFFFFC0];
	v4 =	vmul.f32 $1.131370830e+01, v4  }
0x3c: {  	v5 =	vmul.f32 $1.131370830e+01, v5;
	[tilespmem:s28+$0x80] =	vst v0;
	v0 =	vld [tilespmem:s1+$0x40]  }
0x3d: {  	v6 =	vmul.f32 $1.131370830e+01, v6;
	v7 =	vld [tilespmem:s26+$0x90];
	[tilespmem:s25+$0xC0] =	vst v4  }
0x3e: {  	[tilespmem:s28+$0xFFFFFF80] =	vst v5;
	v1 =	vmul.f32 $1.131370830e+01, v1;
	v4 =	vld [tilespmem:s1+$0xD0]  }
0x3f: {  	[tilespmem:s28+$0x0] =	vst v6;
	v5 =	vld [tilespmem:s26+$0xFFFFFF90];
	v2 =	vmul.f32 $1.131370830e+01, v2  }
0x40: {  	v3 =	vmul.f32 $1.131370830e+01, v3;
	[tilespmem:s28+$0xFFFFFF00] =	vst v1;
	v1 =	vld [tilespmem:s26+$0x10]  }
0x41: {  	v6 =	vld [tilespmem:s26+$0xFFFFFF10];
	[tilespmem:s25+$0xFFFFFF40] =	vst v2;
	v0 =	vmul.f32 $1.131370830e+01, v0  }
0x42: {  	[tilespmem:s25+$0xFFFFFFC0] =	vst v3;
	v2 =	vmul.f32 $1.131370830e+01, v7;
	v7 =	vld [tilespmem:s1+$0xFFFFFF50]  }
0x43: {  	v3 =	vld [tilespmem:s1+$0xFFFFFFD0];
	[tilespmem:s25+$0x40] =	vst v0;
	v0 =	vmul.f32 $1.131370830e+01, v4  }
0x44: {  	v4 =	vmul.f32 $1.131370830e+01, v5;
	[tilespmem:s28+$0x90] =	vst v2;
	v2 =	vld [tilespmem:s1+$0x50]  }
0x45: {  	v1 =	vmul.f32 $1.131370830e+01, v1;
	v5 =	vld [tilespmem:s26+$0xA0];
	[tilespmem:s25+$0xD0] =	vst v0  }
0x46: {  	v0 =	vmul.f32 $1.131370830e+01, v6;
	[tilespmem:s28+$0xFFFFFF90] =	vst v4;
	v4 =	vld [tilespmem:s1+$0xE0]  }
0x47: {  	[tilespmem:s28+$0x10] =	vst v1;
	v6 =	vld [tilespmem:s26+$0xFFFFFFA0];
	v1 =	vmul.f32 $1.131370830e+01, v7  }
0x48: {  	v3 =	vmul.f32 $1.131370830e+01, v3;
	[tilespmem:s28+$0xFFFFFF10] =	vst v0;
	v0 =	vld [tilespmem:s26+$0x20]  }
0x49: {  	v7 =	vld [tilespmem:s26+$0xFFFFFF20];
	[tilespmem:s25+$0xFFFFFF50] =	vst v1;
	v1 =	vmul.f32 $1.131370830e+01, v2  }
0x4a: {  	[tilespmem:s25+$0xFFFFFFD0] =	vst v3;
	v2 =	vmul.f32 $1.131370830e+01, v5;
	v5 =	vld [tilespmem:s1+$0xFFFFFF60]  }
0x4b: {  	v3 =	vld [tilespmem:s1+$0xFFFFFFE0];
	[tilespmem:s25+$0x50] =	vst v1;
	v1 =	vmul.f32 $1.131370830e+01, v4  }
0x4c: {  	v4 =	vmul.f32 $1.131370830e+01, v6;
	[tilespmem:s28+$0xA0] =	vst v2;
	v2 =	vld [tilespmem:s1+$0x60]  }
0x4d: {  	v0 =	vmul.f32 $1.131370830e+01, v0;
	v6 =	vld [tilespmem:s26+$0xB0];
	[tilespmem:s25+$0xE0] =	vst v1  }
0x4e: {  	v1 =	vmul.f32 $1.131370830e+01, v7;
	[tilespmem:s28+$0xFFFFFFA0] =	vst v4;
	v7 =	vld [tilespmem:s1+$0xF0]  }
0x4f: {  	v8 =	vld [tilespmem:s26+$0xFFFFFFB0];
	[tilespmem:s28+$0x20] =	vst v0;
	v0 =	vmul.f32 $1.131370830e+01, v5  }
0x50: {  	v3 =	vmul.f32 $1.131370830e+01, v3;
	[tilespmem:s28+$0xFFFFFF20] =	vst v1;
	v4 =	vld [tilespmem:s26+$0x30]  }
0x51: {  	v5 =	vld [tilespmem:s26+$0xFFFFFF30];
	[tilespmem:s25+$0xFFFFFF60] =	vst v0;
	v2 =	vmul.f32 $1.131370830e+01, v2  }
0x52: {  	[tilespmem:s25+$0xFFFFFFE0] =	vst v3;
	v9 =	vmul.f32 $1.131370830e+01, v6;
	v1 =	vld [tilespmem:s1+$0xFFFFFF70]  }
0x53: {  	v0 =	vld [tilespmem:s1+$0xFFFFFFF0];
	[tilespmem:s25+$0x60] =	vst v2;
	v3 =	vmul.f32 $1.131370830e+01, v7  }
0x54: {  	s29 =	simm.s32 $0x4;
	s30 =	simm.s32 $0x6900;
	v6 =	vmul.f32 $1.131370830e+01, v8;
	[tilespmem:s28+$0xB0] =	vst v9;
	v2 =	vld [tilespmem:s1+$0x70]  }
.LBB2_2:
0x55: {  	v7 =	vld [tilespmem:s30+$0x80];
	v4 =	vmul.f32 $1.131370830e+01, v4;
	[tilespmem:s25+$0xF0] =	vst v3  }
0x56: {  	s29 =	sadd.s32 $0x4, s29;
	v3 =	vmul.f32 $1.131370830e+01, v5;
	[tilespmem:s28+$0xFFFFFFB0] =	vst v6;
	v5 =	vld [tilespmem:s26+$0xC0]  }
0x57: {  	p0 =	slt.u32 s29, $0x7C;
	v6 =	vld [tilespmem:s30+$0xFFFFFF80];
	[tilespmem:s28+$0x30] =	vst v4;
	v1 =	vmul.f32 $1.131370830e+01, v1  }
0x58: {  	v4 =	vld [tilespmem:s30+$0x0];
	[tilespmem:s28+$0xFFFFFF30] =	vst v3;
	v0 =	vmul.f32 $1.131370830e+01, v0  }
0x59: {  	v3 =	vld [tilespmem:s30+$0xFFFFFF00];
	[tilespmem:s25+$0xFFFFFF70] =	vst v1;
	v1 =	vmul.f32 $1.131370830e+01, v2  }
0x5a: {  	v2 =	vmul.f32 $1.131370830e+01, v7;
	v7 =	vld [tilespmem:s26+$0xFFFFFF40];
	[tilespmem:s25+$0xFFFFFFF0] =	vst v0  }
0x5b: {  	v0 =	vld [tilespmem:s26+$0xFFFFFFC0];
	v5 =	vmul.f32 $1.131370830e+01, v5;
	[tilespmem:s25+$0x70] =	vst v1;
	s25 =	smov.u32 s28;
	s28 =	sadd.s32 $0x200, s28  }
0x5c: {  	v1 =	vmul.f32 $1.131370830e+01, v6;
	[tilespmem:s28+$0x80] =	vst v2;
	v2 =	vld [tilespmem:s26+$0x40]  }
0x5d: {  	v4 =	vmul.f32 $1.131370830e+01, v4;
	v6 =	vld [tilespmem:s30+$0x90];
	[tilespmem:s25+$0xC0] =	vst v5  }
0x5e: {  	v3 =	vmul.f32 $1.131370830e+01, v3;
	[tilespmem:s28+$0xFFFFFF80] =	vst v1;
	v1 =	vld [tilespmem:s26+$0xD0]  }
0x5f: {  	v5 =	vld [tilespmem:s30+$0xFFFFFF90];
	[tilespmem:s28+$0x0] =	vst v4;
	v4 =	vmul.f32 $1.131370830e+01, v7  }
0x60: {  	[tilespmem:s28+$0xFFFFFF00] =	vst v3;
	v3 =	vld [tilespmem:s30+$0x10];
	v0 =	vmul.f32 $1.131370830e+01, v0  }
0x61: {  	v7 =	vld [tilespmem:s30+$0xFFFFFF10];
	[tilespmem:s25+$0xFFFFFF40] =	vst v4;
	v2 =	vmul.f32 $1.131370830e+01, v2  }
0x62: {  	v4 =	vmul.f32 $1.131370830e+01, v6;
	v6 =	vld [tilespmem:s26+$0xFFFFFF50];
	[tilespmem:s25+$0xFFFFFFC0] =	vst v0  }
0x63: {  	v0 =	vld [tilespmem:s26+$0xFFFFFFD0];
	[tilespmem:s25+$0x40] =	vst v2;
	v1 =	vmul.f32 $1.131370830e+01, v1  }
0x64: {  	v2 =	vmul.f32 $1.131370830e+01, v5;
	[tilespmem:s28+$0x90] =	vst v4;
	v4 =	vld [tilespmem:s26+$0x50]  }
0x65: {  	v3 =	vmul.f32 $1.131370830e+01, v3;
	v5 =	vld [tilespmem:s30+$0xA0];
	[tilespmem:s25+$0xD0] =	vst v1  }
0x66: {  	v1 =	vmul.f32 $1.131370830e+01, v7;
	[tilespmem:s28+$0xFFFFFF90] =	vst v2;
	v2 =	vld [tilespmem:s26+$0xE0]  }
0x67: {  	v7 =	vld [tilespmem:s30+$0xFFFFFFA0];
	[tilespmem:s28+$0x10] =	vst v3;
	v3 =	vmul.f32 $1.131370830e+01, v6  }
0x68: {  	[tilespmem:s28+$0xFFFFFF10] =	vst v1;
	v1 =	vld [tilespmem:s30+$0x20];
	v0 =	vmul.f32 $1.131370830e+01, v0  }
0x69: {  	v6 =	vld [tilespmem:s30+$0xFFFFFF20];
	[tilespmem:s25+$0xFFFFFF50] =	vst v3;
	v3 =	vmul.f32 $1.131370830e+01, v4  }
0x6a: {  	v4 =	vmul.f32 $1.131370830e+01, v5;
	v5 =	vld [tilespmem:s26+$0xFFFFFF60];
	[tilespmem:s25+$0xFFFFFFD0] =	vst v0  }
0x6b: {  	v0 =	vld [tilespmem:s26+$0xFFFFFFE0];
	[tilespmem:s25+$0x50] =	vst v3;
	v2 =	vmul.f32 $1.131370830e+01, v2  }
0x6c: {  	v3 =	vmul.f32 $1.131370830e+01, v7;
	[tilespmem:s28+$0xA0] =	vst v4;
	v7 =	vld [tilespmem:s26+$0x60]  }
0x6d: {  	v1 =	vmul.f32 $1.131370830e+01, v1;
	v8 =	vld [tilespmem:s30+$0xB0];
	[tilespmem:s25+$0xE0] =	vst v2  }
0x6e: {  	v2 =	vmul.f32 $1.131370830e+01, v6;
	[tilespmem:s28+$0xFFFFFFA0] =	vst v3;
	v3 =	vld [tilespmem:s26+$0xF0]  }
0x6f: {  	v6 =	vld [tilespmem:s30+$0xFFFFFFB0];
	[tilespmem:s28+$0x20] =	vst v1;
	v1 =	vmul.f32 $1.131370830e+01, v5  }
.Ltmp0:
0x70: {  	[tilespmem:s28+$0xFFFFFF20] =	vst v2;
	v4 =	vld [tilespmem:s30+$0x30];
	v0 =	vmul.f32 $1.131370830e+01, v0;
	(pc) =	sbr.rel @p0 .LBB2_2-.Ltmp0, $4  }
0x71: {  	v5 =	vld [tilespmem:s30+$0xFFFFFF30];
	[tilespmem:s25+$0xFFFFFF60] =	vst v1;
	v2 =	vmul.f32 $1.131370830e+01, v7  }
0x72: {  	v7 =	vmul.f32 $1.131370830e+01, v8;
	v1 =	vld [tilespmem:s26+$0xFFFFFF70];
	[tilespmem:s25+$0xFFFFFFE0] =	vst v0  }
0x73: {  	v0 =	vld [tilespmem:s26+$0xFFFFFFF0];
	[tilespmem:s25+$0x60] =	vst v2;
	v3 =	vmul.f32 $1.131370830e+01, v3  }
0x74: {  	v6 =	vmul.f32 $1.131370830e+01, v6;
	[tilespmem:s28+$0xB0] =	vst v7;
	v2 =	vld [tilespmem:s26+$0x70];
	s26 =	smov.u32 s30;
	s30 =	sadd.s32 $0x200, s30  }
0x75: {  	_ = 	snop  }
0x76: {  	v5 =	vmul.f32 $1.131370830e+01, v5;
	_ =	sdelay $0x1  }
0x77: {  	v4 =	vmul.f32 $1.131370830e+01, v4;
	v7 =	vld [tilespmem:s26+$0xC0];
	[tilespmem:s28+$0xFFFFFF30] =	vst v5  }
0x78: {  	[tilespmem:s28+$0xFFFFFFB0] =	vst v6;
	v5 =	vld [tilespmem:s26+$0xFFFFFF40]  }
0x79: {  	[tilespmem:s28+$0x30] =	vst v4;
	v4 =	vld [tilespmem:s26+$0xFFFFFFC0]  }
0x7a: {  	v6 =	vld [tilespmem:s26+$0x40];
	_ =	sdelay $0x1  }
0x7b: {  	v7 =	vmul.f32 $1.131370830e+01, v7  }
0x7c: {  	v5 =	vmul.f32 $1.131370830e+01, v5  }
0x7d: {  	[tilespmem:s28+$0xC0] =	vst v7;
	v4 =	vmul.f32 $1.131370830e+01, v4  }
0x7e: {  	v7 =	vld [tilespmem:s26+$0xD0];
	[tilespmem:s28+$0xFFFFFF40] =	vst v5;
	v5 =	vmul.f32 $1.131370830e+01, v6  }
0x7f: {  	[tilespmem:s28+$0xFFFFFFC0] =	vst v4;
	v6 =	vld [tilespmem:s26+$0xFFFFFF50]  }
0x80: {  	v4 =	vld [tilespmem:s26+$0xFFFFFFD0];
	[tilespmem:s28+$0x40] =	vst v5  }
0x81: {  	v5 =	vld [tilespmem:s26+$0x50];
	_ =	sdelay $0x1  }
0x82: {  	v7 =	vmul.f32 $1.131370830e+01, v7  }
0x83: {  	v6 =	vmul.f32 $1.131370830e+01, v6  }
0x84: {  	[tilespmem:s28+$0xD0] =	vst v7;
	v4 =	vmul.f32 $1.131370830e+01, v4  }
0x85: {  	v7 =	vld [tilespmem:s26+$0xE0];
	[tilespmem:s28+$0xFFFFFF50] =	vst v6;
	v5 =	vmul.f32 $1.131370830e+01, v5  }
0x86: {  	[tilespmem:s28+$0xFFFFFFD0] =	vst v4;
	v6 =	vld [tilespmem:s26+$0xFFFFFF60]  }
0x87: {  	v4 =	vld [tilespmem:s26+$0xFFFFFFE0];
	[tilespmem:s28+$0x50] =	vst v5  }
0x88: {  	v5 =	vld [tilespmem:s26+$0x60];
	_ =	sdelay $0x1  }
0x89: {  	v7 =	vmul.f32 $1.131370830e+01, v7  }
0x8a: {  	v6 =	vmul.f32 $1.131370830e+01, v6  }
0x8b: {  	[tilespmem:s28+$0xE0] =	vst v7;
	v4 =	vmul.f32 $1.131370830e+01, v4  }
0x8c: {  	v7 =	vld [tilespmem:s26+$0xF0];
	[tilespmem:s28+$0xFFFFFF60] =	vst v6;
	v5 =	vmul.f32 $1.131370830e+01, v5  }
0x8d: {  	[tilespmem:s28+$0xFFFFFFE0] =	vst v4;
	v6 =	vld [tilespmem:s26+$0xFFFFFF70]  }
0x8e: {  	v1 =	vmul.f32 $1.131370830e+01, v1;
	v4 =	vld [tilespmem:s26+$0xFFFFFFF0];
	[tilespmem:s28+$0x60] =	vst v5  }
0x8f: {  	[tilespmem:s25+$0xF0] =	vst v3;
	v0 =	vmul.f32 $1.131370830e+01, v0;
	v3 =	vld [tilespmem:s26+$0x70]  }
0x90: {  	[tilespmem:s25+$0xFFFFFF70] =	vst v1;
	v1 =	vmul.f32 $1.131370830e+01, v2  }
0x91: {  	[tilespmem:s25+$0xFFFFFFF0] =	vst v0;
	v0 =	vmul.f32 $1.131370830e+01, v7  }
0x92: {  	[tilespmem:s25+$0x70] =	vst v1;
	v1 =	vmul.f32 $1.131370830e+01, v6  }
0x93: {  	[tilespmem:s28+$0xF0] =	vst v0;
	v0 =	vmul.f32 $1.131370830e+01, v4  }
0x94: {  	[tilespmem:s28+$0xFFFFFF70] =	vst v1;
	v1 =	vmul.f32 $1.131370830e+01, v3  }
0x95: {  	[tilespmem:s28+$0xFFFFFFF0] =	vst v0  }
0x96: {  	[tilespmem:s28+$0x70] =	vst v1  }
0x97: {  	[hbm4b:s6+s4] =	stream.linear.scatter [tilespmem:s17], [sflag:$0x3], $0x4000, $0x38;
	[tilespmem:$0x16400] =	vst v63  }
0x98: {  	_ = 	snop  }
0x99: {  	[tilespmem:s14], [sflag:$0x1] =	stream.indirect.gather [hbm4b:s2+s13], $0x80, s18, s13, $0xb8;
	[tilespmem:$0x16400] =	vst v63  }
0x9a: {  	_ =	swait.ge [sflag:s19], $0x4000  }
0x9b: {  	[sflag:s19] =	ssyncset.done $0x0  }
0x9c: {  	s1 =	simm.s32 $0xA500;
	[sflag:s19] =	ssyncadd.s32 $0xFFFFC000  }
0x9d: {  	v0 =	vld [tilespmem:s1+$0x80];
	_ =	sdelay $0x3  }
0x9e: {  	v1 =	vld [tilespmem:s1+$0xFFFFFF00]  }
0x9f: {  	v2 =	vld [tilespmem:s1+$0xFFFFFF80];
	v0 =	vmul.f32 $1.131370830e+01, v0  }
0xa0: {  	s25 =	simm.s32 $0x12500;
	v3 =	vld [tilespmem:s1+$0x0]  }
0xa1: {  	[tilespmem:s25+$0x80] =	vst v0  }
0xa2: {  	v0 =	vld [tilespmem:s1+$0x90]  }
0xa3: {  	v1 =	vmul.f32 $1.131370830e+01, v1  }
0xa4: {  	v2 =	vmul.f32 $1.131370830e+01, v2  }
0xa5: {  	v3 =	vmul.f32 $1.131370830e+01, v3;
	[tilespmem:s25+$0xFFFFFF00] =	vst v1  }
0xa6: {  	[tilespmem:s25+$0xFFFFFF80] =	vst v2;
	v1 =	vld [tilespmem:s1+$0xFFFFFF10]  }
0xa7: {  	[tilespmem:s25+$0x0] =	vst v3;
	v2 =	vld [tilespmem:s1+$0xFFFFFF90];
	v0 =	vmul.f32 $1.131370830e+01, v0  }
0xa8: {  	v3 =	vld [tilespmem:s1+$0x10]  }
0xa9: {  	[tilespmem:s25+$0x90] =	vst v0  }
0xaa: {  	v0 =	vld [tilespmem:s1+$0xA0]  }
0xab: {  	v1 =	vmul.f32 $1.131370830e+01, v1  }
0xac: {  	v2 =	vmul.f32 $1.131370830e+01, v2  }
0xad: {  	v3 =	vmul.f32 $1.131370830e+01, v3;
	[tilespmem:s25+$0xFFFFFF10] =	vst v1  }
0xae: {  	[tilespmem:s25+$0xFFFFFF90] =	vst v2;
	v1 =	vld [tilespmem:s1+$0xFFFFFF20]  }
0xaf: {  	[tilespmem:s25+$0x10] =	vst v3;
	v2 =	vld [tilespmem:s1+$0xFFFFFFA0];
	v0 =	vmul.f32 $1.131370830e+01, v0  }
0xb0: {  	v3 =	vld [tilespmem:s1+$0x20]  }
0xb1: {  	[tilespmem:s25+$0xA0] =	vst v0  }
0xb2: {  	v0 =	vld [tilespmem:s1+$0xB0]  }
0xb3: {  	v1 =	vmul.f32 $1.131370830e+01, v1  }
0xb4: {  	v2 =	vmul.f32 $1.131370830e+01, v2  }
0xb5: {  	v3 =	vmul.f32 $1.131370830e+01, v3;
	[tilespmem:s25+$0xFFFFFF20] =	vst v1  }
0xb6: {  	[tilespmem:s25+$0xFFFFFFA0] =	vst v2;
	v1 =	vld [tilespmem:s1+$0xFFFFFF30]  }
0xb7: {  	[tilespmem:s25+$0x20] =	vst v3;
	v2 =	vld [tilespmem:s1+$0xFFFFFFB0];
	v0 =	vmul.f32 $1.131370830e+01, v0  }
0xb8: {  	s26 =	simm.s32 $0xA700;
	v3 =	vld [tilespmem:s1+$0x30]  }
0xb9: {  	[tilespmem:s25+$0xB0] =	vst v0;
	v0 =	vld [tilespmem:s26+$0x80]  }
0xba: {  	v4 =	vld [tilespmem:s1+$0xC0]  }
0xbb: {  	v5 =	vld [tilespmem:s26+$0xFFFFFF80];
	v1 =	vmul.f32 $1.131370830e+01, v1  }
0xbc: {  	v6 =	vld [tilespmem:s26+$0x0];
	v2 =	vmul.f32 $1.131370830e+01, v2  }
0xbd: {  	v3 =	vmul.f32 $1.131370830e+01, v3;
	[tilespmem:s25+$0xFFFFFF30] =	vst v1;
	v1 =	vld [tilespmem:s26+$0xFFFFFF00]  }
0xbe: {  	[tilespmem:s25+$0xFFFFFFB0] =	vst v2;
	v2 =	vld [tilespmem:s1+$0xFFFFFF40];
	v0 =	vmul.f32 $1.131370830e+01, v0  }
0xbf: {  	s28 =	simm.s32 $0x12700;
	[tilespmem:s25+$0x30] =	vst v3;
	v3 =	vld [tilespmem:s1+$0xFFFFFFC0];
	v4 =	vmul.f32 $1.131370830e+01, v4  }
0xc0: {  	v5 =	vmul.f32 $1.131370830e+01, v5;
	[tilespmem:s28+$0x80] =	vst v0;
	v0 =	vld [tilespmem:s1+$0x40]  }
0xc1: {  	v6 =	vmul.f32 $1.131370830e+01, v6;
	v7 =	vld [tilespmem:s26+$0x90];
	[tilespmem:s25+$0xC0] =	vst v4  }
0xc2: {  	[tilespmem:s28+$0xFFFFFF80] =	vst v5;
	v1 =	vmul.f32 $1.131370830e+01, v1;
	v4 =	vld [tilespmem:s1+$0xD0]  }
0xc3: {  	[tilespmem:s28+$0x0] =	vst v6;
	v5 =	vld [tilespmem:s26+$0xFFFFFF90];
	v2 =	vmul.f32 $1.131370830e+01, v2  }
0xc4: {  	v3 =	vmul.f32 $1.131370830e+01, v3;
	[tilespmem:s28+$0xFFFFFF00] =	vst v1;
	v1 =	vld [tilespmem:s26+$0x10]  }
0xc5: {  	v6 =	vld [tilespmem:s26+$0xFFFFFF10];
	[tilespmem:s25+$0xFFFFFF40] =	vst v2;
	v0 =	vmul.f32 $1.131370830e+01, v0  }
0xc6: {  	[tilespmem:s25+$0xFFFFFFC0] =	vst v3;
	v2 =	vmul.f32 $1.131370830e+01, v7;
	v7 =	vld [tilespmem:s1+$0xFFFFFF50]  }
0xc7: {  	v3 =	vld [tilespmem:s1+$0xFFFFFFD0];
	[tilespmem:s25+$0x40] =	vst v0;
	v0 =	vmul.f32 $1.131370830e+01, v4  }
0xc8: {  	v4 =	vmul.f32 $1.131370830e+01, v5;
	[tilespmem:s28+$0x90] =	vst v2;
	v2 =	vld [tilespmem:s1+$0x50]  }
0xc9: {  	v1 =	vmul.f32 $1.131370830e+01, v1;
	v5 =	vld [tilespmem:s26+$0xA0];
	[tilespmem:s25+$0xD0] =	vst v0  }
0xca: {  	v0 =	vmul.f32 $1.131370830e+01, v6;
	[tilespmem:s28+$0xFFFFFF90] =	vst v4;
	v4 =	vld [tilespmem:s1+$0xE0]  }
0xcb: {  	[tilespmem:s28+$0x10] =	vst v1;
	v6 =	vld [tilespmem:s26+$0xFFFFFFA0];
	v1 =	vmul.f32 $1.131370830e+01, v7  }
0xcc: {  	v3 =	vmul.f32 $1.131370830e+01, v3;
	[tilespmem:s28+$0xFFFFFF10] =	vst v0;
	v0 =	vld [tilespmem:s26+$0x20]  }
0xcd: {  	v7 =	vld [tilespmem:s26+$0xFFFFFF20];
	[tilespmem:s25+$0xFFFFFF50] =	vst v1;
	v1 =	vmul.f32 $1.131370830e+01, v2  }
0xce: {  	[tilespmem:s25+$0xFFFFFFD0] =	vst v3;
	v2 =	vmul.f32 $1.131370830e+01, v5;
	v5 =	vld [tilespmem:s1+$0xFFFFFF60]  }
0xcf: {  	v3 =	vld [tilespmem:s1+$0xFFFFFFE0];
	[tilespmem:s25+$0x50] =	vst v1;
	v1 =	vmul.f32 $1.131370830e+01, v4  }
0xd0: {  	v4 =	vmul.f32 $1.131370830e+01, v6;
	[tilespmem:s28+$0xA0] =	vst v2;
	v2 =	vld [tilespmem:s1+$0x60]  }
0xd1: {  	v0 =	vmul.f32 $1.131370830e+01, v0;
	v6 =	vld [tilespmem:s26+$0xB0];
	[tilespmem:s25+$0xE0] =	vst v1  }
0xd2: {  	v1 =	vmul.f32 $1.131370830e+01, v7;
	[tilespmem:s28+$0xFFFFFFA0] =	vst v4;
	v7 =	vld [tilespmem:s1+$0xF0]  }
0xd3: {  	v8 =	vld [tilespmem:s26+$0xFFFFFFB0];
	[tilespmem:s28+$0x20] =	vst v0;
	v0 =	vmul.f32 $1.131370830e+01, v5  }
0xd4: {  	v3 =	vmul.f32 $1.131370830e+01, v3;
	[tilespmem:s28+$0xFFFFFF20] =	vst v1;
	v4 =	vld [tilespmem:s26+$0x30]  }
0xd5: {  	v5 =	vld [tilespmem:s26+$0xFFFFFF30];
	[tilespmem:s25+$0xFFFFFF60] =	vst v0;
	v2 =	vmul.f32 $1.131370830e+01, v2  }
0xd6: {  	[tilespmem:s25+$0xFFFFFFE0] =	vst v3;
	v9 =	vmul.f32 $1.131370830e+01, v6;
	v1 =	vld [tilespmem:s1+$0xFFFFFF70]  }
0xd7: {  	v0 =	vld [tilespmem:s1+$0xFFFFFFF0];
	[tilespmem:s25+$0x60] =	vst v2;
	v3 =	vmul.f32 $1.131370830e+01, v7  }
0xd8: {  	s29 =	simm.s32 $0x4;
	s30 =	simm.s32 $0xA900;
	v6 =	vmul.f32 $1.131370830e+01, v8;
	[tilespmem:s28+$0xB0] =	vst v9;
	v2 =	vld [tilespmem:s1+$0x70]  }
.LBB2_4:
0xd9: {  	v7 =	vld [tilespmem:s30+$0x80];
	v4 =	vmul.f32 $1.131370830e+01, v4;
	[tilespmem:s25+$0xF0] =	vst v3  }
0xda: {  	s29 =	sadd.s32 $0x4, s29;
	v3 =	vmul.f32 $1.131370830e+01, v5;
	[tilespmem:s28+$0xFFFFFFB0] =	vst v6;
	v5 =	vld [tilespmem:s26+$0xC0]  }
0xdb: {  	p0 =	slt.u32 s29, $0x7C;
	v6 =	vld [tilespmem:s30+$0xFFFFFF80];
	[tilespmem:s28+$0x30] =	vst v4;
	v1 =	vmul.f32 $1.131370830e+01, v1  }
0xdc: {  	v4 =	vld [tilespmem:s30+$0x0];
	[tilespmem:s28+$0xFFFFFF30] =	vst v3;
	v0 =	vmul.f32 $1.131370830e+01, v0  }
0xdd: {  	v3 =	vld [tilespmem:s30+$0xFFFFFF00];
	[tilespmem:s25+$0xFFFFFF70] =	vst v1;
	v1 =	vmul.f32 $1.131370830e+01, v2  }
0xde: {  	v2 =	vmul.f32 $1.131370830e+01, v7;
	v7 =	vld [tilespmem:s26+$0xFFFFFF40];
	[tilespmem:s25+$0xFFFFFFF0] =	vst v0  }
0xdf: {  	v0 =	vld [tilespmem:s26+$0xFFFFFFC0];
	v5 =	vmul.f32 $1.131370830e+01, v5;
	[tilespmem:s25+$0x70] =	vst v1;
	s25 =	smov.u32 s28;
	s28 =	sadd.s32 $0x200, s28  }
0xe0: {  	v1 =	vmul.f32 $1.131370830e+01, v6;
	[tilespmem:s28+$0x80] =	vst v2;
	v2 =	vld [tilespmem:s26+$0x40]  }
0xe1: {  	v4 =	vmul.f32 $1.131370830e+01, v4;
	v6 =	vld [tilespmem:s30+$0x90];
	[tilespmem:s25+$0xC0] =	vst v5  }
0xe2: {  	v3 =	vmul.f32 $1.131370830e+01, v3;
	[tilespmem:s28+$0xFFFFFF80] =	vst v1;
	v1 =	vld [tilespmem:s26+$0xD0]  }
0xe3: {  	v5 =	vld [tilespmem:s30+$0xFFFFFF90];
	[tilespmem:s28+$0x0] =	vst v4;
	v4 =	vmul.f32 $1.131370830e+01, v7  }
0xe4: {  	[tilespmem:s28+$0xFFFFFF00] =	vst v3;
	v3 =	vld [tilespmem:s30+$0x10];
	v0 =	vmul.f32 $1.131370830e+01, v0  }
0xe5: {  	v7 =	vld [tilespmem:s30+$0xFFFFFF10];
	[tilespmem:s25+$0xFFFFFF40] =	vst v4;
	v2 =	vmul.f32 $1.131370830e+01, v2  }
0xe6: {  	v4 =	vmul.f32 $1.131370830e+01, v6;
	v6 =	vld [tilespmem:s26+$0xFFFFFF50];
	[tilespmem:s25+$0xFFFFFFC0] =	vst v0  }
0xe7: {  	v0 =	vld [tilespmem:s26+$0xFFFFFFD0];
	[tilespmem:s25+$0x40] =	vst v2;
	v1 =	vmul.f32 $1.131370830e+01, v1  }
0xe8: {  	v2 =	vmul.f32 $1.131370830e+01, v5;
	[tilespmem:s28+$0x90] =	vst v4;
	v4 =	vld [tilespmem:s26+$0x50]  }
0xe9: {  	v3 =	vmul.f32 $1.131370830e+01, v3;
	v5 =	vld [tilespmem:s30+$0xA0];
	[tilespmem:s25+$0xD0] =	vst v1  }
0xea: {  	v1 =	vmul.f32 $1.131370830e+01, v7;
	[tilespmem:s28+$0xFFFFFF90] =	vst v2;
	v2 =	vld [tilespmem:s26+$0xE0]  }
0xeb: {  	v7 =	vld [tilespmem:s30+$0xFFFFFFA0];
	[tilespmem:s28+$0x10] =	vst v3;
	v3 =	vmul.f32 $1.131370830e+01, v6  }
0xec: {  	[tilespmem:s28+$0xFFFFFF10] =	vst v1;
	v1 =	vld [tilespmem:s30+$0x20];
	v0 =	vmul.f32 $1.131370830e+01, v0  }
0xed: {  	v6 =	vld [tilespmem:s30+$0xFFFFFF20];
	[tilespmem:s25+$0xFFFFFF50] =	vst v3;
	v3 =	vmul.f32 $1.131370830e+01, v4  }
0xee: {  	v4 =	vmul.f32 $1.131370830e+01, v5;
	v5 =	vld [tilespmem:s26+$0xFFFFFF60];
	[tilespmem:s25+$0xFFFFFFD0] =	vst v0  }
0xef: {  	v0 =	vld [tilespmem:s26+$0xFFFFFFE0];
	[tilespmem:s25+$0x50] =	vst v3;
	v2 =	vmul.f32 $1.131370830e+01, v2  }
0xf0: {  	v3 =	vmul.f32 $1.131370830e+01, v7;
	[tilespmem:s28+$0xA0] =	vst v4;
	v7 =	vld [tilespmem:s26+$0x60]  }
0xf1: {  	v1 =	vmul.f32 $1.131370830e+01, v1;
	v8 =	vld [tilespmem:s30+$0xB0];
	[tilespmem:s25+$0xE0] =	vst v2  }
0xf2: {  	v2 =	vmul.f32 $1.131370830e+01, v6;
	[tilespmem:s28+$0xFFFFFFA0] =	vst v3;
	v3 =	vld [tilespmem:s26+$0xF0]  }
0xf3: {  	v6 =	vld [tilespmem:s30+$0xFFFFFFB0];
	[tilespmem:s28+$0x20] =	vst v1;
	v1 =	vmul.f32 $1.131370830e+01, v5  }
.Ltmp1:
0xf4: {  	[tilespmem:s28+$0xFFFFFF20] =	vst v2;
	v4 =	vld [tilespmem:s30+$0x30];
	v0 =	vmul.f32 $1.131370830e+01, v0;
	(pc) =	sbr.rel @p0 .LBB2_4-.Ltmp1, $4  }
0xf5: {  	v5 =	vld [tilespmem:s30+$0xFFFFFF30];
	[tilespmem:s25+$0xFFFFFF60] =	vst v1;
	v2 =	vmul.f32 $1.131370830e+01, v7  }
0xf6: {  	v7 =	vmul.f32 $1.131370830e+01, v8;
	v1 =	vld [tilespmem:s26+$0xFFFFFF70];
	[tilespmem:s25+$0xFFFFFFE0] =	vst v0  }
0xf7: {  	v0 =	vld [tilespmem:s26+$0xFFFFFFF0];
	[tilespmem:s25+$0x60] =	vst v2;
	v3 =	vmul.f32 $1.131370830e+01, v3  }
0xf8: {  	v6 =	vmul.f32 $1.131370830e+01, v6;
	[tilespmem:s28+$0xB0] =	vst v7;
	v2 =	vld [tilespmem:s26+$0x70];
	s26 =	smov.u32 s30;
	s30 =	sadd.s32 $0x200, s30  }
0xf9: {  	v4 =	vmul.f32 $1.131370830e+01, v4  }
0xfa: {  	v7 =	vld [tilespmem:s26+$0xC0];
	v5 =	vmul.f32 $1.131370830e+01, v5;
	[tilespmem:s28+$0xFFFFFFB0] =	vst v6  }
0xfb: {  	[tilespmem:s28+$0x30] =	vst v4;
	v51 =	vld [tilespmem:s26+$0xFFFFFFC0]  }
0xfc: {  	[tilespmem:s28+$0xFFFFFF30] =	vst v5;
	v52 =	vld [tilespmem:s26+$0x40]  }
0xfd: {  	v5 =	vld [tilespmem:s26+$0xFFFFFF40];
	_ =	sdelay $0x1  }
0xfe: {  	v7 =	vmul.f32 $1.131370830e+01, v7  }
0xff: {  	v4 =	vmul.f32 $1.131370830e+01, v51  }
0x100: {  	[tilespmem:s28+$0xC0] =	vst v7;
	v53 =	vmul.f32 $1.131370830e+01, v52  }
0x101: {  	v7 =	vld [tilespmem:s26+$0xD0];
	v5 =	vmul.f32 $1.131370830e+01, v5;
	[tilespmem:s28+$0xFFFFFFC0] =	vst v4  }
0x102: {  	v4 =	vld [tilespmem:s26+$0xFFFFFFD0];
	[tilespmem:s28+$0x40] =	vst v53  }
0x103: {  	[tilespmem:s28+$0xFFFFFF40] =	vst v5;
	v5 =	vld [tilespmem:s26+$0x50]  }
0x104: {  	v54 =	vld [tilespmem:s26+$0xFFFFFF50];
	_ =	sdelay $0x1  }
0x105: {  	v7 =	vmul.f32 $1.131370830e+01, v7  }
0x106: {  	v4 =	vmul.f32 $1.131370830e+01, v4  }
0x107: {  	[tilespmem:s28+$0xD0] =	vst v7;
	v5 =	vmul.f32 $1.131370830e+01, v5  }
0x108: {  	v7 =	vld [tilespmem:s26+$0xE0];
	v6 =	vmul.f32 $1.131370830e+01, v54;
	[tilespmem:s28+$0xFFFFFFD0] =	vst v4  }
0x109: {  	v4 =	vld [tilespmem:s26+$0xFFFFFFE0];
	[tilespmem:s28+$0x50] =	vst v5  }
0x10a: {  	[tilespmem:s28+$0xFFFFFF50] =	vst v6;
	v5 =	vld [tilespmem:s26+$0x60]  }
0x10b: {  	v6 =	vld [tilespmem:s26+$0xFFFFFF60];
	_ =	sdelay $0x1  }
0x10c: {  	v7 =	vmul.f32 $1.131370830e+01, v7  }
0x10d: {  	v4 =	vmul.f32 $1.131370830e+01, v4  }
0x10e: {  	[tilespmem:s28+$0xE0] =	vst v7;
	v5 =	vmul.f32 $1.131370830e+01, v5  }
0x10f: {  	v55 =	vld [tilespmem:s26+$0xF0];
	v6 =	vmul.f32 $1.131370830e+01, v6;
	[tilespmem:s28+$0xFFFFFFE0] =	vst v4  }
0x110: {  	[tilespmem:s28+$0x60] =	vst v5;
	v57 =	vld [tilespmem:s26+$0xFFFFFFF0]  }
0x111: {  	v1 =	vmul.f32 $1.131370830e+01, v1;
	[tilespmem:s28+$0xFFFFFF60] =	vst v6;
	v58 =	vld [tilespmem:s26+$0x70]  }
0x112: {  	[tilespmem:s25+$0xF0] =	vst v3;
	v0 =	vmul.f32 $1.131370830e+01, v0;
	v56 =	vld [tilespmem:s26+$0xFFFFFF70]  }
0x113: {  	[tilespmem:s25+$0xFFFFFF70] =	vst v1;
	v59 =	vmul.f32 $1.131370830e+01, v2  }
0x114: {  	[tilespmem:s25+$0xFFFFFFF0] =	vst v0;
	v60 =	vmul.f32 $1.131370830e+01, v55  }
0x115: {  	[tilespmem:s25+$0x70] =	vst v59;
	v62 =	vmul.f32 $1.131370830e+01, v57  }
0x116: {  	[tilespmem:s28+$0xF0] =	vst v60;
	v63 =	vmul.f32 $1.131370830e+01, v58  }
0x117: {  	v61 =	vmul.f32 $1.131370830e+01, v56;
	[tilespmem:s28+$0xFFFFFFF0] =	vst v62  }
0x118: {  	[tilespmem:s28+$0x70] =	vst v63  }
0x119: {  	[tilespmem:s28+$0xFFFFFF70] =	vst v61  }
0x11a: {  	[hbm4b:s8+s4] =	stream.linear.scatter [tilespmem:s20], [sflag:$0x4], $0x4000, $0x38;
	[tilespmem:$0x16400] =	vst v63  }
0x11b: {  	s25 =	simm.s32 $0x1  }
0x11c: {  	[tilespmem:s15], [sflag:$0x2] =	stream.indirect.gather [hbm4b:s2+s13], $0x80, s21, s13, $0xb8;
	[tilespmem:$0x16400] =	vst v63  }
.LBB2_6:
0x11d: {  	_ =	swait.ge [sflag:s16], $0x4000  }
0x11e: {  	[sflag:s16] =	ssyncset.done $0x0  }
0x11f: {  	[sflag:s16] =	ssyncadd.s32 $0xFFFFC000  }
0x120: {  	_ =	swait.ge [sflag:s22], $0x4000  }
0x121: {  	[sflag:s22] =	ssyncset.done $0x0  }
0x122: {  	s1 =	simm.s32 $0x6500;
	[sflag:s22] =	ssyncadd.s32 $0xFFFFC000  }
0x123: {  	v0 =	vld [tilespmem:s1+$0x80];
	_ =	sdelay $0x3  }
0x124: {  	v1 =	vld [tilespmem:s1+$0xFFFFFF00]  }
0x125: {  	v2 =	vld [tilespmem:s1+$0xFFFFFF80];
	v0 =	vmul.f32 $1.131370830e+01, v0  }
0x126: {  	s26 =	simm.s32 $0xE500;
	v3 =	vld [tilespmem:s1+$0x0]  }
0x127: {  	[tilespmem:s26+$0x80] =	vst v0  }
0x128: {  	v0 =	vld [tilespmem:s1+$0x90]  }
0x129: {  	v1 =	vmul.f32 $1.131370830e+01, v1  }
0x12a: {  	v2 =	vmul.f32 $1.131370830e+01, v2  }
0x12b: {  	v3 =	vmul.f32 $1.131370830e+01, v3;
	[tilespmem:s26+$0xFFFFFF00] =	vst v1  }
0x12c: {  	[tilespmem:s26+$0xFFFFFF80] =	vst v2;
	v1 =	vld [tilespmem:s1+$0xFFFFFF10]  }
0x12d: {  	[tilespmem:s26+$0x0] =	vst v3;
	v2 =	vld [tilespmem:s1+$0xFFFFFF90];
	v0 =	vmul.f32 $1.131370830e+01, v0  }
0x12e: {  	v3 =	vld [tilespmem:s1+$0x10]  }
0x12f: {  	[tilespmem:s26+$0x90] =	vst v0  }
0x130: {  	v0 =	vld [tilespmem:s1+$0xA0]  }
0x131: {  	v1 =	vmul.f32 $1.131370830e+01, v1  }
0x132: {  	v2 =	vmul.f32 $1.131370830e+01, v2  }
0x133: {  	v3 =	vmul.f32 $1.131370830e+01, v3;
	[tilespmem:s26+$0xFFFFFF10] =	vst v1  }
0x134: {  	[tilespmem:s26+$0xFFFFFF90] =	vst v2;
	v1 =	vld [tilespmem:s1+$0xFFFFFF20]  }
0x135: {  	[tilespmem:s26+$0x10] =	vst v3;
	v2 =	vld [tilespmem:s1+$0xFFFFFFA0];
	v0 =	vmul.f32 $1.131370830e+01, v0  }
0x136: {  	v3 =	vld [tilespmem:s1+$0x20]  }
0x137: {  	[tilespmem:s26+$0xA0] =	vst v0  }
0x138: {  	v0 =	vld [tilespmem:s1+$0xB0]  }
0x139: {  	v1 =	vmul.f32 $1.131370830e+01, v1  }
0x13a: {  	v2 =	vmul.f32 $1.131370830e+01, v2  }
0x13b: {  	v3 =	vmul.f32 $1.131370830e+01, v3;
	[tilespmem:s26+$0xFFFFFF20] =	vst v1  }
0x13c: {  	[tilespmem:s26+$0xFFFFFFA0] =	vst v2;
	v1 =	vld [tilespmem:s1+$0xFFFFFF30]  }
0x13d: {  	[tilespmem:s26+$0x20] =	vst v3;
	v2 =	vld [tilespmem:s1+$0xFFFFFFB0];
	v0 =	vmul.f32 $1.131370830e+01, v0  }
0x13e: {  	s28 =	simm.s32 $0x6700;
	v3 =	vld [tilespmem:s1+$0x30]  }
0x13f: {  	[tilespmem:s26+$0xB0] =	vst v0;
	v0 =	vld [tilespmem:s28+$0x80]  }
0x140: {  	v4 =	vld [tilespmem:s1+$0xC0]  }
0x141: {  	v5 =	vld [tilespmem:s28+$0xFFFFFF80];
	v1 =	vmul.f32 $1.131370830e+01, v1  }
0x142: {  	v6 =	vld [tilespmem:s28+$0x0];
	v2 =	vmul.f32 $1.131370830e+01, v2  }
0x143: {  	v3 =	vmul.f32 $1.131370830e+01, v3;
	[tilespmem:s26+$0xFFFFFF30] =	vst v1;
	v1 =	vld [tilespmem:s28+$0xFFFFFF00]  }
0x144: {  	[tilespmem:s26+$0xFFFFFFB0] =	vst v2;
	v2 =	vld [tilespmem:s1+$0xFFFFFF40];
	v0 =	vmul.f32 $1.131370830e+01, v0  }
0x145: {  	s29 =	simm.s32 $0xE700;
	[tilespmem:s26+$0x30] =	vst v3;
	v3 =	vld [tilespmem:s1+$0xFFFFFFC0];
	v4 =	vmul.f32 $1.131370830e+01, v4  }
0x146: {  	v5 =	vmul.f32 $1.131370830e+01, v5;
	[tilespmem:s29+$0x80] =	vst v0;
	v0 =	vld [tilespmem:s1+$0x40]  }
0x147: {  	v6 =	vmul.f32 $1.131370830e+01, v6;
	v7 =	vld [tilespmem:s28+$0x90];
	[tilespmem:s26+$0xC0] =	vst v4  }
0x148: {  	[tilespmem:s29+$0xFFFFFF80] =	vst v5;
	v1 =	vmul.f32 $1.131370830e+01, v1;
	v4 =	vld [tilespmem:s1+$0xD0]  }
0x149: {  	[tilespmem:s29+$0x0] =	vst v6;
	v5 =	vld [tilespmem:s28+$0xFFFFFF90];
	v2 =	vmul.f32 $1.131370830e+01, v2  }
0x14a: {  	v3 =	vmul.f32 $1.131370830e+01, v3;
	[tilespmem:s29+$0xFFFFFF00] =	vst v1;
	v1 =	vld [tilespmem:s28+$0x10]  }
0x14b: {  	v6 =	vld [tilespmem:s28+$0xFFFFFF10];
	[tilespmem:s26+$0xFFFFFF40] =	vst v2;
	v0 =	vmul.f32 $1.131370830e+01, v0  }
0x14c: {  	[tilespmem:s26+$0xFFFFFFC0] =	vst v3;
	v2 =	vmul.f32 $1.131370830e+01, v7;
	v7 =	vld [tilespmem:s1+$0xFFFFFF50]  }
0x14d: {  	v3 =	vld [tilespmem:s1+$0xFFFFFFD0];
	[tilespmem:s26+$0x40] =	vst v0;
	v0 =	vmul.f32 $1.131370830e+01, v4  }
0x14e: {  	v4 =	vmul.f32 $1.131370830e+01, v5;
	[tilespmem:s29+$0x90] =	vst v2;
	v2 =	vld [tilespmem:s1+$0x50]  }
0x14f: {  	v1 =	vmul.f32 $1.131370830e+01, v1;
	v5 =	vld [tilespmem:s28+$0xA0];
	[tilespmem:s26+$0xD0] =	vst v0  }
0x150: {  	v0 =	vmul.f32 $1.131370830e+01, v6;
	[tilespmem:s29+$0xFFFFFF90] =	vst v4;
	v4 =	vld [tilespmem:s1+$0xE0]  }
0x151: {  	[tilespmem:s29+$0x10] =	vst v1;
	v6 =	vld [tilespmem:s28+$0xFFFFFFA0];
	v1 =	vmul.f32 $1.131370830e+01, v7  }
0x152: {  	v3 =	vmul.f32 $1.131370830e+01, v3;
	[tilespmem:s29+$0xFFFFFF10] =	vst v0;
	v0 =	vld [tilespmem:s28+$0x20]  }
0x153: {  	v7 =	vld [tilespmem:s28+$0xFFFFFF20];
	[tilespmem:s26+$0xFFFFFF50] =	vst v1;
	v1 =	vmul.f32 $1.131370830e+01, v2  }
0x154: {  	[tilespmem:s26+$0xFFFFFFD0] =	vst v3;
	v2 =	vmul.f32 $1.131370830e+01, v5;
	v5 =	vld [tilespmem:s1+$0xFFFFFF60]  }
0x155: {  	v3 =	vld [tilespmem:s1+$0xFFFFFFE0];
	[tilespmem:s26+$0x50] =	vst v1;
	v1 =	vmul.f32 $1.131370830e+01, v4  }
0x156: {  	v4 =	vmul.f32 $1.131370830e+01, v6;
	[tilespmem:s29+$0xA0] =	vst v2;
	v2 =	vld [tilespmem:s1+$0x60]  }
0x157: {  	v0 =	vmul.f32 $1.131370830e+01, v0;
	v6 =	vld [tilespmem:s28+$0xB0];
	[tilespmem:s26+$0xE0] =	vst v1  }
0x158: {  	v1 =	vmul.f32 $1.131370830e+01, v7;
	[tilespmem:s29+$0xFFFFFFA0] =	vst v4;
	v7 =	vld [tilespmem:s1+$0xF0]  }
0x159: {  	v8 =	vld [tilespmem:s28+$0xFFFFFFB0];
	[tilespmem:s29+$0x20] =	vst v0;
	v0 =	vmul.f32 $1.131370830e+01, v5  }
0x15a: {  	v3 =	vmul.f32 $1.131370830e+01, v3;
	[tilespmem:s29+$0xFFFFFF20] =	vst v1;
	v4 =	vld [tilespmem:s28+$0x30]  }
0x15b: {  	v5 =	vld [tilespmem:s28+$0xFFFFFF30];
	[tilespmem:s26+$0xFFFFFF60] =	vst v0;
	v2 =	vmul.f32 $1.131370830e+01, v2  }
0x15c: {  	[tilespmem:s26+$0xFFFFFFE0] =	vst v3;
	v9 =	vmul.f32 $1.131370830e+01, v6;
	v1 =	vld [tilespmem:s1+$0xFFFFFF70]  }
0x15d: {  	v0 =	vld [tilespmem:s1+$0xFFFFFFF0];
	[tilespmem:s26+$0x60] =	vst v2;
	v3 =	vmul.f32 $1.131370830e+01, v7  }
0x15e: {  	s30 =	simm.s32 $0x4;
	s31 =	simm.s32 $0x6900;
	v6 =	vmul.f32 $1.131370830e+01, v8;
	[tilespmem:s29+$0xB0] =	vst v9;
	v2 =	vld [tilespmem:s1+$0x70]  }
.LBB2_7:
0x15f: {  	v7 =	vld [tilespmem:s31+$0x80];
	v4 =	vmul.f32 $1.131370830e+01, v4;
	[tilespmem:s26+$0xF0] =	vst v3  }
0x160: {  	s30 =	sadd.s32 $0x4, s30;
	v3 =	vmul.f32 $1.131370830e+01, v5;
	[tilespmem:s29+$0xFFFFFFB0] =	vst v6;
	v5 =	vld [tilespmem:s28+$0xC0]  }
0x161: {  	p0 =	slt.u32 s30, $0x7C;
	v6 =	vld [tilespmem:s31+$0xFFFFFF80];
	[tilespmem:s29+$0x30] =	vst v4;
	v1 =	vmul.f32 $1.131370830e+01, v1  }
0x162: {  	v4 =	vld [tilespmem:s31+$0x0];
	[tilespmem:s29+$0xFFFFFF30] =	vst v3;
	v0 =	vmul.f32 $1.131370830e+01, v0  }
0x163: {  	v3 =	vld [tilespmem:s31+$0xFFFFFF00];
	[tilespmem:s26+$0xFFFFFF70] =	vst v1;
	v1 =	vmul.f32 $1.131370830e+01, v2  }
0x164: {  	v2 =	vmul.f32 $1.131370830e+01, v7;
	v7 =	vld [tilespmem:s28+$0xFFFFFF40];
	[tilespmem:s26+$0xFFFFFFF0] =	vst v0  }
0x165: {  	v0 =	vld [tilespmem:s28+$0xFFFFFFC0];
	v5 =	vmul.f32 $1.131370830e+01, v5;
	[tilespmem:s26+$0x70] =	vst v1;
	s26 =	smov.u32 s29;
	s29 =	sadd.s32 $0x200, s29  }
0x166: {  	v1 =	vmul.f32 $1.131370830e+01, v6;
	[tilespmem:s29+$0x80] =	vst v2;
	v2 =	vld [tilespmem:s28+$0x40]  }
0x167: {  	v4 =	vmul.f32 $1.131370830e+01, v4;
	v6 =	vld [tilespmem:s31+$0x90];
	[tilespmem:s26+$0xC0] =	vst v5  }
0x168: {  	v3 =	vmul.f32 $1.131370830e+01, v3;
	[tilespmem:s29+$0xFFFFFF80] =	vst v1;
	v1 =	vld [tilespmem:s28+$0xD0]  }
0x169: {  	v5 =	vld [tilespmem:s31+$0xFFFFFF90];
	[tilespmem:s29+$0x0] =	vst v4;
	v4 =	vmul.f32 $1.131370830e+01, v7  }
0x16a: {  	[tilespmem:s29+$0xFFFFFF00] =	vst v3;
	v3 =	vld [tilespmem:s31+$0x10];
	v0 =	vmul.f32 $1.131370830e+01, v0  }
0x16b: {  	v7 =	vld [tilespmem:s31+$0xFFFFFF10];
	[tilespmem:s26+$0xFFFFFF40] =	vst v4;
	v2 =	vmul.f32 $1.131370830e+01, v2  }
0x16c: {  	v4 =	vmul.f32 $1.131370830e+01, v6;
	v6 =	vld [tilespmem:s28+$0xFFFFFF50];
	[tilespmem:s26+$0xFFFFFFC0] =	vst v0  }
0x16d: {  	v0 =	vld [tilespmem:s28+$0xFFFFFFD0];
	[tilespmem:s26+$0x40] =	vst v2;
	v1 =	vmul.f32 $1.131370830e+01, v1  }
0x16e: {  	v2 =	vmul.f32 $1.131370830e+01, v5;
	[tilespmem:s29+$0x90] =	vst v4;
	v4 =	vld [tilespmem:s28+$0x50]  }
0x16f: {  	v3 =	vmul.f32 $1.131370830e+01, v3;
	v5 =	vld [tilespmem:s31+$0xA0];
	[tilespmem:s26+$0xD0] =	vst v1  }
0x170: {  	v1 =	vmul.f32 $1.131370830e+01, v7;
	[tilespmem:s29+$0xFFFFFF90] =	vst v2;
	v2 =	vld [tilespmem:s28+$0xE0]  }
0x171: {  	v7 =	vld [tilespmem:s31+$0xFFFFFFA0];
	[tilespmem:s29+$0x10] =	vst v3;
	v3 =	vmul.f32 $1.131370830e+01, v6  }
0x172: {  	[tilespmem:s29+$0xFFFFFF10] =	vst v1;
	v1 =	vld [tilespmem:s31+$0x20];
	v0 =	vmul.f32 $1.131370830e+01, v0  }
0x173: {  	v6 =	vld [tilespmem:s31+$0xFFFFFF20];
	[tilespmem:s26+$0xFFFFFF50] =	vst v3;
	v3 =	vmul.f32 $1.131370830e+01, v4  }
0x174: {  	v4 =	vmul.f32 $1.131370830e+01, v5;
	v5 =	vld [tilespmem:s28+$0xFFFFFF60];
	[tilespmem:s26+$0xFFFFFFD0] =	vst v0  }
0x175: {  	v0 =	vld [tilespmem:s28+$0xFFFFFFE0];
	[tilespmem:s26+$0x50] =	vst v3;
	v2 =	vmul.f32 $1.131370830e+01, v2  }
0x176: {  	v3 =	vmul.f32 $1.131370830e+01, v7;
	[tilespmem:s29+$0xA0] =	vst v4;
	v7 =	vld [tilespmem:s28+$0x60]  }
0x177: {  	v1 =	vmul.f32 $1.131370830e+01, v1;
	v8 =	vld [tilespmem:s31+$0xB0];
	[tilespmem:s26+$0xE0] =	vst v2  }
0x178: {  	v2 =	vmul.f32 $1.131370830e+01, v6;
	[tilespmem:s29+$0xFFFFFFA0] =	vst v3;
	v3 =	vld [tilespmem:s28+$0xF0]  }
0x179: {  	v6 =	vld [tilespmem:s31+$0xFFFFFFB0];
	[tilespmem:s29+$0x20] =	vst v1;
	v1 =	vmul.f32 $1.131370830e+01, v5  }
.Ltmp2:
0x17a: {  	[tilespmem:s29+$0xFFFFFF20] =	vst v2;
	v4 =	vld [tilespmem:s31+$0x30];
	v0 =	vmul.f32 $1.131370830e+01, v0;
	(pc) =	sbr.rel @p0 .LBB2_7-.Ltmp2, $4  }
0x17b: {  	v5 =	vld [tilespmem:s31+$0xFFFFFF30];
	[tilespmem:s26+$0xFFFFFF60] =	vst v1;
	v2 =	vmul.f32 $1.131370830e+01, v7  }
0x17c: {  	v7 =	vmul.f32 $1.131370830e+01, v8;
	v1 =	vld [tilespmem:s28+$0xFFFFFF70];
	[tilespmem:s26+$0xFFFFFFE0] =	vst v0  }
0x17d: {  	v0 =	vld [tilespmem:s28+$0xFFFFFFF0];
	[tilespmem:s26+$0x60] =	vst v2;
	v3 =	vmul.f32 $1.131370830e+01, v3  }
0x17e: {  	v6 =	vmul.f32 $1.131370830e+01, v6;
	[tilespmem:s29+$0xB0] =	vst v7;
	v2 =	vld [tilespmem:s28+$0x70];
	s28 =	smov.u32 s31;
	s31 =	sadd.s32 $0x200, s31  }
0x17f: {  	_ = 	snop  }
0x180: {  	v5 =	vmul.f32 $1.131370830e+01, v5;
	_ =	sdelay $0x1  }
0x181: {  	v4 =	vmul.f32 $1.131370830e+01, v4;
	v7 =	vld [tilespmem:s28+$0xC0];
	[tilespmem:s29+$0xFFFFFF30] =	vst v5  }
0x182: {  	[tilespmem:s29+$0xFFFFFFB0] =	vst v6;
	v5 =	vld [tilespmem:s28+$0xFFFFFF40]  }
0x183: {  	[tilespmem:s29+$0x30] =	vst v4;
	v4 =	vld [tilespmem:s28+$0xFFFFFFC0]  }
0x184: {  	v6 =	vld [tilespmem:s28+$0x40];
	_ =	sdelay $0x1  }
0x185: {  	v7 =	vmul.f32 $1.131370830e+01, v7  }
0x186: {  	v5 =	vmul.f32 $1.131370830e+01, v5  }
0x187: {  	[tilespmem:s29+$0xC0] =	vst v7;
	v4 =	vmul.f32 $1.131370830e+01, v4  }
0x188: {  	v7 =	vld [tilespmem:s28+$0xD0];
	[tilespmem:s29+$0xFFFFFF40] =	vst v5;
	v5 =	vmul.f32 $1.131370830e+01, v6  }
0x189: {  	[tilespmem:s29+$0xFFFFFFC0] =	vst v4;
	v6 =	vld [tilespmem:s28+$0xFFFFFF50]  }
0x18a: {  	v4 =	vld [tilespmem:s28+$0xFFFFFFD0];
	[tilespmem:s29+$0x40] =	vst v5  }
0x18b: {  	v5 =	vld [tilespmem:s28+$0x50];
	_ =	sdelay $0x1  }
0x18c: {  	v7 =	vmul.f32 $1.131370830e+01, v7  }
0x18d: {  	v6 =	vmul.f32 $1.131370830e+01, v6  }
0x18e: {  	[tilespmem:s29+$0xD0] =	vst v7;
	v4 =	vmul.f32 $1.131370830e+01, v4  }
0x18f: {  	v7 =	vld [tilespmem:s28+$0xE0];
	[tilespmem:s29+$0xFFFFFF50] =	vst v6;
	v5 =	vmul.f32 $1.131370830e+01, v5  }
0x190: {  	[tilespmem:s29+$0xFFFFFFD0] =	vst v4;
	v6 =	vld [tilespmem:s28+$0xFFFFFF60]  }
0x191: {  	v4 =	vld [tilespmem:s28+$0xFFFFFFE0];
	[tilespmem:s29+$0x50] =	vst v5  }
0x192: {  	v5 =	vld [tilespmem:s28+$0x60];
	_ =	sdelay $0x1  }
0x193: {  	v7 =	vmul.f32 $1.131370830e+01, v7  }
0x194: {  	v6 =	vmul.f32 $1.131370830e+01, v6  }
0x195: {  	[tilespmem:s29+$0xE0] =	vst v7;
	v4 =	vmul.f32 $1.131370830e+01, v4  }
0x196: {  	v7 =	vld [tilespmem:s28+$0xF0];
	[tilespmem:s29+$0xFFFFFF60] =	vst v6;
	v5 =	vmul.f32 $1.131370830e+01, v5  }
0x197: {  	[tilespmem:s29+$0xFFFFFFE0] =	vst v4;
	v6 =	vld [tilespmem:s28+$0xFFFFFF70]  }
0x198: {  	v1 =	vmul.f32 $1.131370830e+01, v1;
	v4 =	vld [tilespmem:s28+$0xFFFFFFF0];
	[tilespmem:s29+$0x60] =	vst v5  }
0x199: {  	[tilespmem:s26+$0xF0] =	vst v3;
	v0 =	vmul.f32 $1.131370830e+01, v0;
	v3 =	vld [tilespmem:s28+$0x70]  }
0x19a: {  	[tilespmem:s26+$0xFFFFFF70] =	vst v1;
	v1 =	vmul.f32 $1.131370830e+01, v2  }
0x19b: {  	[tilespmem:s26+$0xFFFFFFF0] =	vst v0;
	v0 =	vmul.f32 $1.131370830e+01, v7  }
0x19c: {  	[tilespmem:s26+$0x70] =	vst v1;
	v1 =	vmul.f32 $1.131370830e+01, v6  }
0x19d: {  	s0 =	sshll.u32 s25, $0xF;
	[tilespmem:s29+$0xF0] =	vst v0;
	v0 =	vmul.f32 $1.131370830e+01, v4  }
0x19e: {  	s0 =	sadd.s32 s5, s0;
	[tilespmem:s29+$0xFFFFFF70] =	vst v1;
	v1 =	vmul.f32 $1.131370830e+01, v3  }
0x19f: {  	s0 =	sshrl.u32 s0, $0x3;
	s26 =	sshll.u32 s25, $0x8;
	[tilespmem:s29+$0xFFFFFFF0] =	vst v0  }
0x1a0: {  	s0 =	sadd.s32 s3, s0;
	s26 =	sand.u32 $0x3FFFFF00, s26;
	[tilespmem:s29+$0x70] =	vst v1  }
0x1a1: {  	[hbm4b:s0+s4] =	stream.linear.scatter [tilespmem:s17], [sflag:$0x3], $0x4000, $0x38;
	[tilespmem:$0x16400] =	vst v63  }
0x1a2: {  	s0 =	sadd.s32 $0x100, s26  }
0x1a3: {  	[tilespmem:s14], [sflag:$0x1] =	stream.indirect.gather [hbm4b:s2+s13], $0x80, s0, s13, $0xb8;
	[tilespmem:$0x16400] =	vst v63  }
0x1a4: {  	_ =	swait.ge [sflag:s19], $0x4000  }
0x1a5: {  	[sflag:s19] =	ssyncset.done $0x0  }
0x1a6: {  	[sflag:s19] =	ssyncadd.s32 $0xFFFFC000  }
0x1a7: {  	_ =	swait.ge [sflag:s23], $0x4000  }
0x1a8: {  	[sflag:s23] =	ssyncset.done $0x0  }
0x1a9: {  	s0 =	simm.s32 $0xA500;
	[sflag:s23] =	ssyncadd.s32 $0xFFFFC000  }
0x1aa: {  	v0 =	vld [tilespmem:s0+$0x80];
	_ =	sdelay $0x3  }
0x1ab: {  	v1 =	vld [tilespmem:s0+$0xFFFFFF00]  }
0x1ac: {  	v2 =	vld [tilespmem:s0+$0xFFFFFF80];
	v0 =	vmul.f32 $1.131370830e+01, v0  }
0x1ad: {  	s28 =	simm.s32 $0x12500;
	v3 =	vld [tilespmem:s0+$0x0]  }
0x1ae: {  	[tilespmem:s28+$0x80] =	vst v0  }
0x1af: {  	v0 =	vld [tilespmem:s0+$0x90]  }
0x1b0: {  	v1 =	vmul.f32 $1.131370830e+01, v1  }
0x1b1: {  	v2 =	vmul.f32 $1.131370830e+01, v2  }
0x1b2: {  	v3 =	vmul.f32 $1.131370830e+01, v3;
	[tilespmem:s28+$0xFFFFFF00] =	vst v1  }
0x1b3: {  	[tilespmem:s28+$0xFFFFFF80] =	vst v2;
	v1 =	vld [tilespmem:s0+$0xFFFFFF10]  }
0x1b4: {  	[tilespmem:s28+$0x0] =	vst v3;
	v2 =	vld [tilespmem:s0+$0xFFFFFF90];
	v0 =	vmul.f32 $1.131370830e+01, v0  }
0x1b5: {  	v3 =	vld [tilespmem:s0+$0x10]  }
0x1b6: {  	[tilespmem:s28+$0x90] =	vst v0  }
0x1b7: {  	v0 =	vld [tilespmem:s0+$0xA0]  }
0x1b8: {  	v1 =	vmul.f32 $1.131370830e+01, v1  }
0x1b9: {  	v2 =	vmul.f32 $1.131370830e+01, v2  }
0x1ba: {  	v3 =	vmul.f32 $1.131370830e+01, v3;
	[tilespmem:s28+$0xFFFFFF10] =	vst v1  }
0x1bb: {  	[tilespmem:s28+$0xFFFFFF90] =	vst v2;
	v1 =	vld [tilespmem:s0+$0xFFFFFF20]  }
0x1bc: {  	[tilespmem:s28+$0x10] =	vst v3;
	v2 =	vld [tilespmem:s0+$0xFFFFFFA0];
	v0 =	vmul.f32 $1.131370830e+01, v0  }
0x1bd: {  	v3 =	vld [tilespmem:s0+$0x20]  }
0x1be: {  	[tilespmem:s28+$0xA0] =	vst v0  }
0x1bf: {  	v0 =	vld [tilespmem:s0+$0xB0]  }
0x1c0: {  	v1 =	vmul.f32 $1.131370830e+01, v1  }
0x1c1: {  	v2 =	vmul.f32 $1.131370830e+01, v2  }
0x1c2: {  	v3 =	vmul.f32 $1.131370830e+01, v3;
	[tilespmem:s28+$0xFFFFFF20] =	vst v1  }
0x1c3: {  	[tilespmem:s28+$0xFFFFFFA0] =	vst v2;
	v1 =	vld [tilespmem:s0+$0xFFFFFF30]  }
0x1c4: {  	[tilespmem:s28+$0x20] =	vst v3;
	v2 =	vld [tilespmem:s0+$0xFFFFFFB0];
	v0 =	vmul.f32 $1.131370830e+01, v0  }
0x1c5: {  	s29 =	simm.s32 $0xA700;
	v3 =	vld [tilespmem:s0+$0x30]  }
0x1c6: {  	[tilespmem:s28+$0xB0] =	vst v0;
	v0 =	vld [tilespmem:s29+$0x80]  }
0x1c7: {  	v4 =	vld [tilespmem:s0+$0xC0]  }
0x1c8: {  	v5 =	vld [tilespmem:s29+$0xFFFFFF80];
	v1 =	vmul.f32 $1.131370830e+01, v1  }
0x1c9: {  	v6 =	vld [tilespmem:s29+$0x0];
	v2 =	vmul.f32 $1.131370830e+01, v2  }
0x1ca: {  	v3 =	vmul.f32 $1.131370830e+01, v3;
	[tilespmem:s28+$0xFFFFFF30] =	vst v1;
	v1 =	vld [tilespmem:s29+$0xFFFFFF00]  }
0x1cb: {  	[tilespmem:s28+$0xFFFFFFB0] =	vst v2;
	v2 =	vld [tilespmem:s0+$0xFFFFFF40];
	v0 =	vmul.f32 $1.131370830e+01, v0  }
0x1cc: {  	s30 =	simm.s32 $0x12700;
	[tilespmem:s28+$0x30] =	vst v3;
	v3 =	vld [tilespmem:s0+$0xFFFFFFC0];
	v4 =	vmul.f32 $1.131370830e+01, v4  }
0x1cd: {  	v5 =	vmul.f32 $1.131370830e+01, v5;
	[tilespmem:s30+$0x80] =	vst v0;
	v0 =	vld [tilespmem:s0+$0x40]  }
0x1ce: {  	v6 =	vmul.f32 $1.131370830e+01, v6;
	v7 =	vld [tilespmem:s29+$0x90];
	[tilespmem:s28+$0xC0] =	vst v4  }
0x1cf: {  	[tilespmem:s30+$0xFFFFFF80] =	vst v5;
	v1 =	vmul.f32 $1.131370830e+01, v1;
	v4 =	vld [tilespmem:s0+$0xD0]  }
0x1d0: {  	[tilespmem:s30+$0x0] =	vst v6;
	v5 =	vld [tilespmem:s29+$0xFFFFFF90];
	v2 =	vmul.f32 $1.131370830e+01, v2  }
0x1d1: {  	v3 =	vmul.f32 $1.131370830e+01, v3;
	[tilespmem:s30+$0xFFFFFF00] =	vst v1;
	v1 =	vld [tilespmem:s29+$0x10]  }
0x1d2: {  	v6 =	vld [tilespmem:s29+$0xFFFFFF10];
	[tilespmem:s28+$0xFFFFFF40] =	vst v2;
	v0 =	vmul.f32 $1.131370830e+01, v0  }
0x1d3: {  	[tilespmem:s28+$0xFFFFFFC0] =	vst v3;
	v2 =	vmul.f32 $1.131370830e+01, v7;
	v7 =	vld [tilespmem:s0+$0xFFFFFF50]  }
0x1d4: {  	v3 =	vld [tilespmem:s0+$0xFFFFFFD0];
	[tilespmem:s28+$0x40] =	vst v0;
	v0 =	vmul.f32 $1.131370830e+01, v4  }
0x1d5: {  	v4 =	vmul.f32 $1.131370830e+01, v5;
	[tilespmem:s30+$0x90] =	vst v2;
	v2 =	vld [tilespmem:s0+$0x50]  }
0x1d6: {  	v1 =	vmul.f32 $1.131370830e+01, v1;
	v5 =	vld [tilespmem:s29+$0xA0];
	[tilespmem:s28+$0xD0] =	vst v0  }
0x1d7: {  	v0 =	vmul.f32 $1.131370830e+01, v6;
	[tilespmem:s30+$0xFFFFFF90] =	vst v4;
	v4 =	vld [tilespmem:s0+$0xE0]  }
0x1d8: {  	[tilespmem:s30+$0x10] =	vst v1;
	v6 =	vld [tilespmem:s29+$0xFFFFFFA0];
	v1 =	vmul.f32 $1.131370830e+01, v7  }
0x1d9: {  	v3 =	vmul.f32 $1.131370830e+01, v3;
	[tilespmem:s30+$0xFFFFFF10] =	vst v0;
	v0 =	vld [tilespmem:s29+$0x20]  }
0x1da: {  	v7 =	vld [tilespmem:s29+$0xFFFFFF20];
	[tilespmem:s28+$0xFFFFFF50] =	vst v1;
	v1 =	vmul.f32 $1.131370830e+01, v2  }
0x1db: {  	[tilespmem:s28+$0xFFFFFFD0] =	vst v3;
	v2 =	vmul.f32 $1.131370830e+01, v5;
	v5 =	vld [tilespmem:s0+$0xFFFFFF60]  }
0x1dc: {  	v3 =	vld [tilespmem:s0+$0xFFFFFFE0];
	[tilespmem:s28+$0x50] =	vst v1;
	v1 =	vmul.f32 $1.131370830e+01, v4  }
0x1dd: {  	v4 =	vmul.f32 $1.131370830e+01, v6;
	[tilespmem:s30+$0xA0] =	vst v2;
	v2 =	vld [tilespmem:s0+$0x60]  }
0x1de: {  	v0 =	vmul.f32 $1.131370830e+01, v0;
	v6 =	vld [tilespmem:s29+$0xB0];
	[tilespmem:s28+$0xE0] =	vst v1  }
0x1df: {  	v1 =	vmul.f32 $1.131370830e+01, v7;
	[tilespmem:s30+$0xFFFFFFA0] =	vst v4;
	v7 =	vld [tilespmem:s0+$0xF0]  }
0x1e0: {  	v8 =	vld [tilespmem:s29+$0xFFFFFFB0];
	[tilespmem:s30+$0x20] =	vst v0;
	v0 =	vmul.f32 $1.131370830e+01, v5  }
0x1e1: {  	v3 =	vmul.f32 $1.131370830e+01, v3;
	[tilespmem:s30+$0xFFFFFF20] =	vst v1;
	v4 =	vld [tilespmem:s29+$0x30]  }
0x1e2: {  	v5 =	vld [tilespmem:s29+$0xFFFFFF30];
	[tilespmem:s28+$0xFFFFFF60] =	vst v0;
	v2 =	vmul.f32 $1.131370830e+01, v2  }
0x1e3: {  	[tilespmem:s28+$0xFFFFFFE0] =	vst v3;
	v9 =	vmul.f32 $1.131370830e+01, v6;
	v1 =	vld [tilespmem:s0+$0xFFFFFF70]  }
0x1e4: {  	v0 =	vld [tilespmem:s0+$0xFFFFFFF0];
	[tilespmem:s28+$0x60] =	vst v2;
	v3 =	vmul.f32 $1.131370830e+01, v7  }
0x1e5: {  	s31 =	simm.s32 $0x4;
	s1 =	simm.s32 $0xA900;
	v6 =	vmul.f32 $1.131370830e+01, v8;
	[tilespmem:s30+$0xB0] =	vst v9;
	v2 =	vld [tilespmem:s0+$0x70]  }
.LBB2_9:
0x1e6: {  	v7 =	vld [tilespmem:s1+$0x80];
	v4 =	vmul.f32 $1.131370830e+01, v4;
	[tilespmem:s28+$0xF0] =	vst v3  }
0x1e7: {  	s31 =	sadd.s32 $0x4, s31;
	v3 =	vmul.f32 $1.131370830e+01, v5;
	[tilespmem:s30+$0xFFFFFFB0] =	vst v6;
	v5 =	vld [tilespmem:s29+$0xC0]  }
0x1e8: {  	p0 =	slt.u32 s31, $0x7C;
	v6 =	vld [tilespmem:s1+$0xFFFFFF80];
	[tilespmem:s30+$0x30] =	vst v4;
	v1 =	vmul.f32 $1.131370830e+01, v1  }
0x1e9: {  	v4 =	vld [tilespmem:s1+$0x0];
	[tilespmem:s30+$0xFFFFFF30] =	vst v3;
	v0 =	vmul.f32 $1.131370830e+01, v0  }
0x1ea: {  	v3 =	vld [tilespmem:s1+$0xFFFFFF00];
	[tilespmem:s28+$0xFFFFFF70] =	vst v1;
	v1 =	vmul.f32 $1.131370830e+01, v2  }
0x1eb: {  	v2 =	vmul.f32 $1.131370830e+01, v7;
	v7 =	vld [tilespmem:s29+$0xFFFFFF40];
	[tilespmem:s28+$0xFFFFFFF0] =	vst v0  }
0x1ec: {  	v0 =	vld [tilespmem:s29+$0xFFFFFFC0];
	v5 =	vmul.f32 $1.131370830e+01, v5;
	[tilespmem:s28+$0x70] =	vst v1;
	s28 =	smov.u32 s30;
	s30 =	sadd.s32 $0x200, s30  }
0x1ed: {  	v1 =	vmul.f32 $1.131370830e+01, v6;
	[tilespmem:s30+$0x80] =	vst v2;
	v2 =	vld [tilespmem:s29+$0x40]  }
0x1ee: {  	v4 =	vmul.f32 $1.131370830e+01, v4;
	v6 =	vld [tilespmem:s1+$0x90];
	[tilespmem:s28+$0xC0] =	vst v5  }
0x1ef: {  	v3 =	vmul.f32 $1.131370830e+01, v3;
	[tilespmem:s30+$0xFFFFFF80] =	vst v1;
	v1 =	vld [tilespmem:s29+$0xD0]  }
0x1f0: {  	v5 =	vld [tilespmem:s1+$0xFFFFFF90];
	[tilespmem:s30+$0x0] =	vst v4;
	v4 =	vmul.f32 $1.131370830e+01, v7  }
0x1f1: {  	[tilespmem:s30+$0xFFFFFF00] =	vst v3;
	v3 =	vld [tilespmem:s1+$0x10];
	v0 =	vmul.f32 $1.131370830e+01, v0  }
0x1f2: {  	v7 =	vld [tilespmem:s1+$0xFFFFFF10];
	[tilespmem:s28+$0xFFFFFF40] =	vst v4;
	v2 =	vmul.f32 $1.131370830e+01, v2  }
0x1f3: {  	v4 =	vmul.f32 $1.131370830e+01, v6;
	v6 =	vld [tilespmem:s29+$0xFFFFFF50];
	[tilespmem:s28+$0xFFFFFFC0] =	vst v0  }
0x1f4: {  	v0 =	vld [tilespmem:s29+$0xFFFFFFD0];
	[tilespmem:s28+$0x40] =	vst v2;
	v1 =	vmul.f32 $1.131370830e+01, v1  }
0x1f5: {  	v2 =	vmul.f32 $1.131370830e+01, v5;
	[tilespmem:s30+$0x90] =	vst v4;
	v4 =	vld [tilespmem:s29+$0x50]  }
0x1f6: {  	v3 =	vmul.f32 $1.131370830e+01, v3;
	v5 =	vld [tilespmem:s1+$0xA0];
	[tilespmem:s28+$0xD0] =	vst v1  }
0x1f7: {  	v1 =	vmul.f32 $1.131370830e+01, v7;
	[tilespmem:s30+$0xFFFFFF90] =	vst v2;
	v2 =	vld [tilespmem:s29+$0xE0]  }
0x1f8: {  	v7 =	vld [tilespmem:s1+$0xFFFFFFA0];
	[tilespmem:s30+$0x10] =	vst v3;
	v3 =	vmul.f32 $1.131370830e+01, v6  }
0x1f9: {  	[tilespmem:s30+$0xFFFFFF10] =	vst v1;
	v1 =	vld [tilespmem:s1+$0x20];
	v0 =	vmul.f32 $1.131370830e+01, v0  }
0x1fa: {  	v6 =	vld [tilespmem:s1+$0xFFFFFF20];
	[tilespmem:s28+$0xFFFFFF50] =	vst v3;
	v3 =	vmul.f32 $1.131370830e+01, v4  }
0x1fb: {  	v4 =	vmul.f32 $1.131370830e+01, v5;
	v5 =	vld [tilespmem:s29+$0xFFFFFF60];
	[tilespmem:s28+$0xFFFFFFD0] =	vst v0  }
0x1fc: {  	v0 =	vld [tilespmem:s29+$0xFFFFFFE0];
	[tilespmem:s28+$0x50] =	vst v3;
	v2 =	vmul.f32 $1.131370830e+01, v2  }
0x1fd: {  	v3 =	vmul.f32 $1.131370830e+01, v7;
	[tilespmem:s30+$0xA0] =	vst v4;
	v7 =	vld [tilespmem:s29+$0x60]  }
0x1fe: {  	v1 =	vmul.f32 $1.131370830e+01, v1;
	v8 =	vld [tilespmem:s1+$0xB0];
	[tilespmem:s28+$0xE0] =	vst v2  }
0x1ff: {  	v2 =	vmul.f32 $1.131370830e+01, v6;
	[tilespmem:s30+$0xFFFFFFA0] =	vst v3;
	v3 =	vld [tilespmem:s29+$0xF0]  }
0x200: {  	v6 =	vld [tilespmem:s1+$0xFFFFFFB0];
	[tilespmem:s30+$0x20] =	vst v1;
	v1 =	vmul.f32 $1.131370830e+01, v5  }
.Ltmp3:
0x201: {  	[tilespmem:s30+$0xFFFFFF20] =	vst v2;
	v4 =	vld [tilespmem:s1+$0x30];
	v0 =	vmul.f32 $1.131370830e+01, v0;
	(pc) =	sbr.rel @p0 .LBB2_9-.Ltmp3, $4  }
0x202: {  	v5 =	vld [tilespmem:s1+$0xFFFFFF30];
	[tilespmem:s28+$0xFFFFFF60] =	vst v1;
	v2 =	vmul.f32 $1.131370830e+01, v7  }
0x203: {  	v7 =	vmul.f32 $1.131370830e+01, v8;
	v1 =	vld [tilespmem:s29+$0xFFFFFF70];
	[tilespmem:s28+$0xFFFFFFE0] =	vst v0  }
0x204: {  	v0 =	vld [tilespmem:s29+$0xFFFFFFF0];
	[tilespmem:s28+$0x60] =	vst v2;
	v3 =	vmul.f32 $1.131370830e+01, v3  }
0x205: {  	v6 =	vmul.f32 $1.131370830e+01, v6;
	[tilespmem:s30+$0xB0] =	vst v7;
	v2 =	vld [tilespmem:s29+$0x70];
	s29 =	smov.u32 s1;
	s1 =	sadd.s32 $0x200, s1  }
0x206: {  	v4 =	vmul.f32 $1.131370830e+01, v4  }
0x207: {  	v7 =	vld [tilespmem:s29+$0xC0];
	v5 =	vmul.f32 $1.131370830e+01, v5;
	[tilespmem:s30+$0xFFFFFFB0] =	vst v6  }
0x208: {  	[tilespmem:s30+$0x30] =	vst v4;
	v51 =	vld [tilespmem:s29+$0xFFFFFFC0]  }
0x209: {  	[tilespmem:s30+$0xFFFFFF30] =	vst v5;
	v52 =	vld [tilespmem:s29+$0x40]  }
0x20a: {  	v5 =	vld [tilespmem:s29+$0xFFFFFF40];
	_ =	sdelay $0x1  }
0x20b: {  	v7 =	vmul.f32 $1.131370830e+01, v7  }
0x20c: {  	v4 =	vmul.f32 $1.131370830e+01, v51  }
0x20d: {  	[tilespmem:s30+$0xC0] =	vst v7;
	v53 =	vmul.f32 $1.131370830e+01, v52  }
0x20e: {  	v7 =	vld [tilespmem:s29+$0xD0];
	v5 =	vmul.f32 $1.131370830e+01, v5;
	[tilespmem:s30+$0xFFFFFFC0] =	vst v4  }
0x20f: {  	v4 =	vld [tilespmem:s29+$0xFFFFFFD0];
	[tilespmem:s30+$0x40] =	vst v53  }
0x210: {  	[tilespmem:s30+$0xFFFFFF40] =	vst v5;
	v5 =	vld [tilespmem:s29+$0x50]  }
0x211: {  	v54 =	vld [tilespmem:s29+$0xFFFFFF50];
	_ =	sdelay $0x1  }
0x212: {  	v7 =	vmul.f32 $1.131370830e+01, v7  }
0x213: {  	v4 =	vmul.f32 $1.131370830e+01, v4  }
0x214: {  	[tilespmem:s30+$0xD0] =	vst v7;
	v5 =	vmul.f32 $1.131370830e+01, v5  }
0x215: {  	v7 =	vld [tilespmem:s29+$0xE0];
	v6 =	vmul.f32 $1.131370830e+01, v54;
	[tilespmem:s30+$0xFFFFFFD0] =	vst v4  }
0x216: {  	v4 =	vld [tilespmem:s29+$0xFFFFFFE0];
	[tilespmem:s30+$0x50] =	vst v5  }
0x217: {  	[tilespmem:s30+$0xFFFFFF50] =	vst v6;
	v5 =	vld [tilespmem:s29+$0x60]  }
0x218: {  	v6 =	vld [tilespmem:s29+$0xFFFFFF60];
	_ =	sdelay $0x1  }
0x219: {  	v7 =	vmul.f32 $1.131370830e+01, v7  }
0x21a: {  	v4 =	vmul.f32 $1.131370830e+01, v4  }
0x21b: {  	[tilespmem:s30+$0xE0] =	vst v7;
	v5 =	vmul.f32 $1.131370830e+01, v5  }
0x21c: {  	v55 =	vld [tilespmem:s29+$0xF0];
	v6 =	vmul.f32 $1.131370830e+01, v6;
	[tilespmem:s30+$0xFFFFFFE0] =	vst v4  }
0x21d: {  	[tilespmem:s30+$0x60] =	vst v5;
	v57 =	vld [tilespmem:s29+$0xFFFFFFF0]  }
0x21e: {  	v1 =	vmul.f32 $1.131370830e+01, v1;
	[tilespmem:s30+$0xFFFFFF60] =	vst v6;
	v58 =	vld [tilespmem:s29+$0x70]  }
0x21f: {  	[tilespmem:s28+$0xF0] =	vst v3;
	v0 =	vmul.f32 $1.131370830e+01, v0;
	v56 =	vld [tilespmem:s29+$0xFFFFFF70]  }
0x220: {  	[tilespmem:s28+$0xFFFFFF70] =	vst v1;
	v59 =	vmul.f32 $1.131370830e+01, v2  }
0x221: {  	[tilespmem:s28+$0xFFFFFFF0] =	vst v0;
	v60 =	vmul.f32 $1.131370830e+01, v55  }
0x222: {  	[tilespmem:s28+$0x70] =	vst v59;
	v62 =	vmul.f32 $1.131370830e+01, v57  }
0x223: {  	s0 =	sshll.u32 s25, $0xC;
	s25 =	sadd.s32 $0x1, s25;
	[tilespmem:s30+$0xF0] =	vst v60;
	v63 =	vmul.f32 $1.131370830e+01, v58  }
0x224: {  	p0 =	sne.s32 s25, $0x63;
	v61 =	vmul.f32 $1.131370830e+01, v56;
	[tilespmem:s30+$0xFFFFFFF0] =	vst v62  }
.Ltmp4:
0x225: {  	[tilespmem:s30+$0x70] =	vst v63;
	(pc) =	sbr.rel @p0 .LBB2_6-.Ltmp4, $4  }
0x226: {  	s0 =	sadd.s32 s8, s0;
	[tilespmem:s30+$0xFFFFFF70] =	vst v61  }
0x227: {  	[hbm4b:s0+s4] =	stream.linear.scatter [tilespmem:s20], [sflag:$0x4], $0x4000, $0x38;
	[tilespmem:$0x16400] =	vst v63  }
0x228: {  	s31 =	sadd.s32 $0x180, s26  }
0x229: {  	[tilespmem:s15], [sflag:$0x2] =	stream.indirect.gather [hbm4b:s2+s13], $0x80, s31, s13, $0xb8;
	[tilespmem:$0x16400] =	vst v63  }
0x22a: {  	_ =	swait.ge [sflag:s16], $0x4000  }
0x22b: {  	[sflag:s16] =	ssyncset.done $0x0  }
0x22c: {  	[sflag:s16] =	ssyncadd.s32 $0xFFFFC000  }
0x22d: {  	_ =	swait.ge [sflag:s22], $0x4000  }
0x22e: {  	[sflag:s22] =	ssyncset.done $0x0  }
0x22f: {  	s0 =	simm.s32 $0x6500;
	[sflag:s22] =	ssyncadd.s32 $0xFFFFC000  }
0x230: {  	v0 =	vld [tilespmem:s0+$0x80];
	_ =	sdelay $0x3  }
0x231: {  	v1 =	vld [tilespmem:s0+$0xFFFFFF00]  }
0x232: {  	v2 =	vld [tilespmem:s0+$0xFFFFFF80];
	v0 =	vmul.f32 $1.131370830e+01, v0  }
0x233: {  	s25 =	simm.s32 $0xE500;
	v3 =	vld [tilespmem:s0+$0x0]  }
0x234: {  	[tilespmem:s25+$0x80] =	vst v0  }
0x235: {  	v0 =	vld [tilespmem:s0+$0x90]  }
0x236: {  	v1 =	vmul.f32 $1.131370830e+01, v1  }
0x237: {  	v2 =	vmul.f32 $1.131370830e+01, v2  }
0x238: {  	v3 =	vmul.f32 $1.131370830e+01, v3;
	[tilespmem:s25+$0xFFFFFF00] =	vst v1  }
0x239: {  	[tilespmem:s25+$0xFFFFFF80] =	vst v2;
	v1 =	vld [tilespmem:s0+$0xFFFFFF10]  }
0x23a: {  	[tilespmem:s25+$0x0] =	vst v3;
	v2 =	vld [tilespmem:s0+$0xFFFFFF90];
	v0 =	vmul.f32 $1.131370830e+01, v0  }
0x23b: {  	v3 =	vld [tilespmem:s0+$0x10]  }
0x23c: {  	[tilespmem:s25+$0x90] =	vst v0  }
0x23d: {  	v0 =	vld [tilespmem:s0+$0xA0]  }
0x23e: {  	v1 =	vmul.f32 $1.131370830e+01, v1  }
0x23f: {  	v2 =	vmul.f32 $1.131370830e+01, v2  }
0x240: {  	v3 =	vmul.f32 $1.131370830e+01, v3;
	[tilespmem:s25+$0xFFFFFF10] =	vst v1  }
0x241: {  	[tilespmem:s25+$0xFFFFFF90] =	vst v2;
	v1 =	vld [tilespmem:s0+$0xFFFFFF20]  }
0x242: {  	[tilespmem:s25+$0x10] =	vst v3;
	v2 =	vld [tilespmem:s0+$0xFFFFFFA0];
	v0 =	vmul.f32 $1.131370830e+01, v0  }
0x243: {  	v3 =	vld [tilespmem:s0+$0x20]  }
0x244: {  	[tilespmem:s25+$0xA0] =	vst v0  }
0x245: {  	v0 =	vld [tilespmem:s0+$0xB0]  }
0x246: {  	v1 =	vmul.f32 $1.131370830e+01, v1  }
0x247: {  	v2 =	vmul.f32 $1.131370830e+01, v2  }
0x248: {  	v3 =	vmul.f32 $1.131370830e+01, v3;
	[tilespmem:s25+$0xFFFFFF20] =	vst v1  }
0x249: {  	[tilespmem:s25+$0xFFFFFFA0] =	vst v2;
	v1 =	vld [tilespmem:s0+$0xFFFFFF30]  }
0x24a: {  	[tilespmem:s25+$0x20] =	vst v3;
	v2 =	vld [tilespmem:s0+$0xFFFFFFB0];
	v0 =	vmul.f32 $1.131370830e+01, v0  }
0x24b: {  	s26 =	simm.s32 $0x6700;
	v3 =	vld [tilespmem:s0+$0x30]  }
0x24c: {  	[tilespmem:s25+$0xB0] =	vst v0;
	v0 =	vld [tilespmem:s26+$0x80]  }
0x24d: {  	v4 =	vld [tilespmem:s0+$0xC0]  }
0x24e: {  	v5 =	vld [tilespmem:s26+$0xFFFFFF80];
	v1 =	vmul.f32 $1.131370830e+01, v1  }
0x24f: {  	v6 =	vld [tilespmem:s26+$0x0];
	v2 =	vmul.f32 $1.131370830e+01, v2  }
0x250: {  	v3 =	vmul.f32 $1.131370830e+01, v3;
	[tilespmem:s25+$0xFFFFFF30] =	vst v1;
	v1 =	vld [tilespmem:s26+$0xFFFFFF00]  }
0x251: {  	[tilespmem:s25+$0xFFFFFFB0] =	vst v2;
	v2 =	vld [tilespmem:s0+$0xFFFFFF40];
	v0 =	vmul.f32 $1.131370830e+01, v0  }
0x252: {  	s28 =	simm.s32 $0xE700;
	[tilespmem:s25+$0x30] =	vst v3;
	v3 =	vld [tilespmem:s0+$0xFFFFFFC0];
	v4 =	vmul.f32 $1.131370830e+01, v4  }
0x253: {  	v5 =	vmul.f32 $1.131370830e+01, v5;
	[tilespmem:s28+$0x80] =	vst v0;
	v0 =	vld [tilespmem:s0+$0x40]  }
0x254: {  	v6 =	vmul.f32 $1.131370830e+01, v6;
	v7 =	vld [tilespmem:s26+$0x90];
	[tilespmem:s25+$0xC0] =	vst v4  }
0x255: {  	[tilespmem:s28+$0xFFFFFF80] =	vst v5;
	v1 =	vmul.f32 $1.131370830e+01, v1;
	v4 =	vld [tilespmem:s0+$0xD0]  }
0x256: {  	[tilespmem:s28+$0x0] =	vst v6;
	v5 =	vld [tilespmem:s26+$0xFFFFFF90];
	v2 =	vmul.f32 $1.131370830e+01, v2  }
0x257: {  	v3 =	vmul.f32 $1.131370830e+01, v3;
	[tilespmem:s28+$0xFFFFFF00] =	vst v1;
	v1 =	vld [tilespmem:s26+$0x10]  }
0x258: {  	v6 =	vld [tilespmem:s26+$0xFFFFFF10];
	[tilespmem:s25+$0xFFFFFF40] =	vst v2;
	v0 =	vmul.f32 $1.131370830e+01, v0  }
0x259: {  	[tilespmem:s25+$0xFFFFFFC0] =	vst v3;
	v2 =	vmul.f32 $1.131370830e+01, v7;
	v7 =	vld [tilespmem:s0+$0xFFFFFF50]  }
0x25a: {  	v3 =	vld [tilespmem:s0+$0xFFFFFFD0];
	[tilespmem:s25+$0x40] =	vst v0;
	v0 =	vmul.f32 $1.131370830e+01, v4  }
0x25b: {  	v4 =	vmul.f32 $1.131370830e+01, v5;
	[tilespmem:s28+$0x90] =	vst v2;
	v2 =	vld [tilespmem:s0+$0x50]  }
0x25c: {  	v1 =	vmul.f32 $1.131370830e+01, v1;
	v5 =	vld [tilespmem:s26+$0xA0];
	[tilespmem:s25+$0xD0] =	vst v0  }
0x25d: {  	v0 =	vmul.f32 $1.131370830e+01, v6;
	[tilespmem:s28+$0xFFFFFF90] =	vst v4;
	v4 =	vld [tilespmem:s0+$0xE0]  }
0x25e: {  	[tilespmem:s28+$0x10] =	vst v1;
	v6 =	vld [tilespmem:s26+$0xFFFFFFA0];
	v1 =	vmul.f32 $1.131370830e+01, v7  }
0x25f: {  	v3 =	vmul.f32 $1.131370830e+01, v3;
	[tilespmem:s28+$0xFFFFFF10] =	vst v0;
	v0 =	vld [tilespmem:s26+$0x20]  }
0x260: {  	v7 =	vld [tilespmem:s26+$0xFFFFFF20];
	[tilespmem:s25+$0xFFFFFF50] =	vst v1;
	v1 =	vmul.f32 $1.131370830e+01, v2  }
0x261: {  	[tilespmem:s25+$0xFFFFFFD0] =	vst v3;
	v2 =	vmul.f32 $1.131370830e+01, v5;
	v5 =	vld [tilespmem:s0+$0xFFFFFF60]  }
0x262: {  	v3 =	vld [tilespmem:s0+$0xFFFFFFE0];
	[tilespmem:s25+$0x50] =	vst v1;
	v1 =	vmul.f32 $1.131370830e+01, v4  }
0x263: {  	v4 =	vmul.f32 $1.131370830e+01, v6;
	[tilespmem:s28+$0xA0] =	vst v2;
	v2 =	vld [tilespmem:s0+$0x60]  }
0x264: {  	v0 =	vmul.f32 $1.131370830e+01, v0;
	v6 =	vld [tilespmem:s26+$0xB0];
	[tilespmem:s25+$0xE0] =	vst v1  }
0x265: {  	v1 =	vmul.f32 $1.131370830e+01, v7;
	[tilespmem:s28+$0xFFFFFFA0] =	vst v4;
	v7 =	vld [tilespmem:s0+$0xF0]  }
0x266: {  	v8 =	vld [tilespmem:s26+$0xFFFFFFB0];
	[tilespmem:s28+$0x20] =	vst v0;
	v0 =	vmul.f32 $1.131370830e+01, v5  }
0x267: {  	v3 =	vmul.f32 $1.131370830e+01, v3;
	[tilespmem:s28+$0xFFFFFF20] =	vst v1;
	v4 =	vld [tilespmem:s26+$0x30]  }
0x268: {  	v5 =	vld [tilespmem:s26+$0xFFFFFF30];
	[tilespmem:s25+$0xFFFFFF60] =	vst v0;
	v2 =	vmul.f32 $1.131370830e+01, v2  }
0x269: {  	[tilespmem:s25+$0xFFFFFFE0] =	vst v3;
	v9 =	vmul.f32 $1.131370830e+01, v6;
	v1 =	vld [tilespmem:s0+$0xFFFFFF70]  }
0x26a: {  	v0 =	vld [tilespmem:s0+$0xFFFFFFF0];
	[tilespmem:s25+$0x60] =	vst v2;
	v3 =	vmul.f32 $1.131370830e+01, v7  }
0x26b: {  	s29 =	simm.s32 $0x4;
	s1 =	simm.s32 $0x6900;
	v6 =	vmul.f32 $1.131370830e+01, v8;
	[tilespmem:s28+$0xB0] =	vst v9;
	v2 =	vld [tilespmem:s0+$0x70]  }
.LBB2_12:
0x26c: {  	v7 =	vld [tilespmem:s1+$0x80];
	v4 =	vmul.f32 $1.131370830e+01, v4;
	[tilespmem:s25+$0xF0] =	vst v3  }
0x26d: {  	s29 =	sadd.s32 $0x4, s29;
	v3 =	vmul.f32 $1.131370830e+01, v5;
	[tilespmem:s28+$0xFFFFFFB0] =	vst v6;
	v5 =	vld [tilespmem:s26+$0xC0]  }
0x26e: {  	p0 =	slt.u32 s29, $0x7C;
	v6 =	vld [tilespmem:s1+$0xFFFFFF80];
	[tilespmem:s28+$0x30] =	vst v4;
	v1 =	vmul.f32 $1.131370830e+01, v1  }
0x26f: {  	v4 =	vld [tilespmem:s1+$0x0];
	[tilespmem:s28+$0xFFFFFF30] =	vst v3;
	v0 =	vmul.f32 $1.131370830e+01, v0  }
0x270: {  	v3 =	vld [tilespmem:s1+$0xFFFFFF00];
	[tilespmem:s25+$0xFFFFFF70] =	vst v1;
	v1 =	vmul.f32 $1.131370830e+01, v2  }
0x271: {  	v2 =	vmul.f32 $1.131370830e+01, v7;
	v7 =	vld [tilespmem:s26+$0xFFFFFF40];
	[tilespmem:s25+$0xFFFFFFF0] =	vst v0  }
0x272: {  	v0 =	vld [tilespmem:s26+$0xFFFFFFC0];
	v5 =	vmul.f32 $1.131370830e+01, v5;
	[tilespmem:s25+$0x70] =	vst v1;
	s25 =	smov.u32 s28;
	s28 =	sadd.s32 $0x200, s28  }
0x273: {  	v1 =	vmul.f32 $1.131370830e+01, v6;
	[tilespmem:s28+$0x80] =	vst v2;
	v2 =	vld [tilespmem:s26+$0x40]  }
0x274: {  	v4 =	vmul.f32 $1.131370830e+01, v4;
	v6 =	vld [tilespmem:s1+$0x90];
	[tilespmem:s25+$0xC0] =	vst v5  }
0x275: {  	v3 =	vmul.f32 $1.131370830e+01, v3;
	[tilespmem:s28+$0xFFFFFF80] =	vst v1;
	v1 =	vld [tilespmem:s26+$0xD0]  }
0x276: {  	v5 =	vld [tilespmem:s1+$0xFFFFFF90];
	[tilespmem:s28+$0x0] =	vst v4;
	v4 =	vmul.f32 $1.131370830e+01, v7  }
0x277: {  	[tilespmem:s28+$0xFFFFFF00] =	vst v3;
	v3 =	vld [tilespmem:s1+$0x10];
	v0 =	vmul.f32 $1.131370830e+01, v0  }
0x278: {  	v7 =	vld [tilespmem:s1+$0xFFFFFF10];
	[tilespmem:s25+$0xFFFFFF40] =	vst v4;
	v2 =	vmul.f32 $1.131370830e+01, v2  }
0x279: {  	v4 =	vmul.f32 $1.131370830e+01, v6;
	v6 =	vld [tilespmem:s26+$0xFFFFFF50];
	[tilespmem:s25+$0xFFFFFFC0] =	vst v0  }
0x27a: {  	v0 =	vld [tilespmem:s26+$0xFFFFFFD0];
	[tilespmem:s25+$0x40] =	vst v2;
	v1 =	vmul.f32 $1.131370830e+01, v1  }
0x27b: {  	v2 =	vmul.f32 $1.131370830e+01, v5;
	[tilespmem:s28+$0x90] =	vst v4;
	v4 =	vld [tilespmem:s26+$0x50]  }
0x27c: {  	v3 =	vmul.f32 $1.131370830e+01, v3;
	v5 =	vld [tilespmem:s1+$0xA0];
	[tilespmem:s25+$0xD0] =	vst v1  }
0x27d: {  	v1 =	vmul.f32 $1.131370830e+01, v7;
	[tilespmem:s28+$0xFFFFFF90] =	vst v2;
	v2 =	vld [tilespmem:s26+$0xE0]  }
0x27e: {  	v7 =	vld [tilespmem:s1+$0xFFFFFFA0];
	[tilespmem:s28+$0x10] =	vst v3;
	v3 =	vmul.f32 $1.131370830e+01, v6  }
0x27f: {  	[tilespmem:s28+$0xFFFFFF10] =	vst v1;
	v1 =	vld [tilespmem:s1+$0x20];
	v0 =	vmul.f32 $1.131370830e+01, v0  }
0x280: {  	v6 =	vld [tilespmem:s1+$0xFFFFFF20];
	[tilespmem:s25+$0xFFFFFF50] =	vst v3;
	v3 =	vmul.f32 $1.131370830e+01, v4  }
0x281: {  	v4 =	vmul.f32 $1.131370830e+01, v5;
	v5 =	vld [tilespmem:s26+$0xFFFFFF60];
	[tilespmem:s25+$0xFFFFFFD0] =	vst v0  }
0x282: {  	v0 =	vld [tilespmem:s26+$0xFFFFFFE0];
	[tilespmem:s25+$0x50] =	vst v3;
	v2 =	vmul.f32 $1.131370830e+01, v2  }
0x283: {  	v3 =	vmul.f32 $1.131370830e+01, v7;
	[tilespmem:s28+$0xA0] =	vst v4;
	v7 =	vld [tilespmem:s26+$0x60]  }
0x284: {  	v1 =	vmul.f32 $1.131370830e+01, v1;
	v8 =	vld [tilespmem:s1+$0xB0];
	[tilespmem:s25+$0xE0] =	vst v2  }
0x285: {  	v2 =	vmul.f32 $1.131370830e+01, v6;
	[tilespmem:s28+$0xFFFFFFA0] =	vst v3;
	v3 =	vld [tilespmem:s26+$0xF0]  }
0x286: {  	v6 =	vld [tilespmem:s1+$0xFFFFFFB0];
	[tilespmem:s28+$0x20] =	vst v1;
	v1 =	vmul.f32 $1.131370830e+01, v5  }
.Ltmp5:
0x287: {  	[tilespmem:s28+$0xFFFFFF20] =	vst v2;
	v4 =	vld [tilespmem:s1+$0x30];
	v0 =	vmul.f32 $1.131370830e+01, v0;
	(pc) =	sbr.rel @p0 .LBB2_12-.Ltmp5, $4  }
0x288: {  	v5 =	vld [tilespmem:s1+$0xFFFFFF30];
	[tilespmem:s25+$0xFFFFFF60] =	vst v1;
	v2 =	vmul.f32 $1.131370830e+01, v7  }
0x289: {  	v7 =	vmul.f32 $1.131370830e+01, v8;
	v1 =	vld [tilespmem:s26+$0xFFFFFF70];
	[tilespmem:s25+$0xFFFFFFE0] =	vst v0  }
0x28a: {  	v0 =	vld [tilespmem:s26+$0xFFFFFFF0];
	[tilespmem:s25+$0x60] =	vst v2;
	v3 =	vmul.f32 $1.131370830e+01, v3  }
0x28b: {  	v6 =	vmul.f32 $1.131370830e+01, v6;
	[tilespmem:s28+$0xB0] =	vst v7;
	v2 =	vld [tilespmem:s26+$0x70];
	s26 =	smov.u32 s1;
	s1 =	sadd.s32 $0x200, s1  }
0x28c: {  	_ = 	snop  }
0x28d: {  	v5 =	vmul.f32 $1.131370830e+01, v5;
	_ =	sdelay $0x1  }
0x28e: {  	v4 =	vmul.f32 $1.131370830e+01, v4;
	v7 =	vld [tilespmem:s26+$0xC0];
	[tilespmem:s28+$0xFFFFFF30] =	vst v5  }
0x28f: {  	[tilespmem:s28+$0xFFFFFFB0] =	vst v6;
	v5 =	vld [tilespmem:s26+$0xFFFFFF40]  }
0x290: {  	[tilespmem:s28+$0x30] =	vst v4;
	v4 =	vld [tilespmem:s26+$0xFFFFFFC0]  }
0x291: {  	v6 =	vld [tilespmem:s26+$0x40];
	_ =	sdelay $0x1  }
0x292: {  	v7 =	vmul.f32 $1.131370830e+01, v7  }
0x293: {  	v5 =	vmul.f32 $1.131370830e+01, v5  }
0x294: {  	[tilespmem:s28+$0xC0] =	vst v7;
	v4 =	vmul.f32 $1.131370830e+01, v4  }
0x295: {  	v7 =	vld [tilespmem:s26+$0xD0];
	[tilespmem:s28+$0xFFFFFF40] =	vst v5;
	v5 =	vmul.f32 $1.131370830e+01, v6  }
0x296: {  	[tilespmem:s28+$0xFFFFFFC0] =	vst v4;
	v6 =	vld [tilespmem:s26+$0xFFFFFF50]  }
0x297: {  	v4 =	vld [tilespmem:s26+$0xFFFFFFD0];
	[tilespmem:s28+$0x40] =	vst v5  }
0x298: {  	v5 =	vld [tilespmem:s26+$0x50];
	_ =	sdelay $0x1  }
0x299: {  	v7 =	vmul.f32 $1.131370830e+01, v7  }
0x29a: {  	v6 =	vmul.f32 $1.131370830e+01, v6  }
0x29b: {  	[tilespmem:s28+$0xD0] =	vst v7;
	v4 =	vmul.f32 $1.131370830e+01, v4  }
0x29c: {  	v7 =	vld [tilespmem:s26+$0xE0];
	[tilespmem:s28+$0xFFFFFF50] =	vst v6;
	v5 =	vmul.f32 $1.131370830e+01, v5  }
0x29d: {  	[tilespmem:s28+$0xFFFFFFD0] =	vst v4;
	v6 =	vld [tilespmem:s26+$0xFFFFFF60]  }
0x29e: {  	v4 =	vld [tilespmem:s26+$0xFFFFFFE0];
	[tilespmem:s28+$0x50] =	vst v5  }
0x29f: {  	v5 =	vld [tilespmem:s26+$0x60];
	_ =	sdelay $0x1  }
0x2a0: {  	v7 =	vmul.f32 $1.131370830e+01, v7  }
0x2a1: {  	v6 =	vmul.f32 $1.131370830e+01, v6  }
0x2a2: {  	[tilespmem:s28+$0xE0] =	vst v7;
	v4 =	vmul.f32 $1.131370830e+01, v4  }
0x2a3: {  	v7 =	vld [tilespmem:s26+$0xF0];
	[tilespmem:s28+$0xFFFFFF60] =	vst v6;
	v5 =	vmul.f32 $1.131370830e+01, v5  }
0x2a4: {  	[tilespmem:s28+$0xFFFFFFE0] =	vst v4;
	v6 =	vld [tilespmem:s26+$0xFFFFFF70]  }
0x2a5: {  	v1 =	vmul.f32 $1.131370830e+01, v1;
	v4 =	vld [tilespmem:s26+$0xFFFFFFF0];
	[tilespmem:s28+$0x60] =	vst v5  }
0x2a6: {  	[tilespmem:s25+$0xF0] =	vst v3;
	v0 =	vmul.f32 $1.131370830e+01, v0;
	v3 =	vld [tilespmem:s26+$0x70]  }
0x2a7: {  	[tilespmem:s25+$0xFFFFFF70] =	vst v1;
	v1 =	vmul.f32 $1.131370830e+01, v2  }
0x2a8: {  	[tilespmem:s25+$0xFFFFFFF0] =	vst v0;
	v0 =	vmul.f32 $1.131370830e+01, v7  }
0x2a9: {  	[tilespmem:s25+$0x70] =	vst v1;
	v1 =	vmul.f32 $1.131370830e+01, v6  }
0x2aa: {  	[tilespmem:s28+$0xF0] =	vst v0;
	v0 =	vmul.f32 $1.131370830e+01, v4  }
0x2ab: {  	[tilespmem:s28+$0xFFFFFF70] =	vst v1;
	v1 =	vmul.f32 $1.131370830e+01, v3  }
0x2ac: {  	[tilespmem:s28+$0xFFFFFFF0] =	vst v0  }
0x2ad: {  	[tilespmem:s28+$0x70] =	vst v1  }
0x2ae: {  	[hbm4b:s9+s4] =	stream.linear.scatter [tilespmem:s17], [sflag:$0x3], $0x4000, $0x38;
	[tilespmem:$0x16400] =	vst v63  }
0x2af: {  	_ =	swait.ge [sflag:s19], $0x4000  }
0x2b0: {  	[sflag:s19] =	ssyncset.done $0x0  }
0x2b1: {  	[sflag:s19] =	ssyncadd.s32 $0xFFFFC000  }
0x2b2: {  	_ =	swait.ge [sflag:s23], $0x4000  }
0x2b3: {  	[sflag:s23] =	ssyncset.done $0x0  }
0x2b4: {  	s0 =	simm.s32 $0xA500;
	[sflag:s23] =	ssyncadd.s32 $0xFFFFC000  }
0x2b5: {  	v0 =	vld [tilespmem:s0+$0x80];
	_ =	sdelay $0x3  }
0x2b6: {  	v1 =	vld [tilespmem:s0+$0xFFFFFF00]  }
0x2b7: {  	v2 =	vld [tilespmem:s0+$0xFFFFFF80];
	v0 =	vmul.f32 $1.131370830e+01, v0  }
0x2b8: {  	s25 =	simm.s32 $0x12500;
	v3 =	vld [tilespmem:s0+$0x0]  }
0x2b9: {  	[tilespmem:s25+$0x80] =	vst v0  }
0x2ba: {  	v0 =	vld [tilespmem:s0+$0x90]  }
0x2bb: {  	v1 =	vmul.f32 $1.131370830e+01, v1  }
0x2bc: {  	v2 =	vmul.f32 $1.131370830e+01, v2  }
0x2bd: {  	v3 =	vmul.f32 $1.131370830e+01, v3;
	[tilespmem:s25+$0xFFFFFF00] =	vst v1  }
0x2be: {  	[tilespmem:s25+$0xFFFFFF80] =	vst v2;
	v1 =	vld [tilespmem:s0+$0xFFFFFF10]  }
0x2bf: {  	[tilespmem:s25+$0x0] =	vst v3;
	v2 =	vld [tilespmem:s0+$0xFFFFFF90];
	v0 =	vmul.f32 $1.131370830e+01, v0  }
0x2c0: {  	v3 =	vld [tilespmem:s0+$0x10]  }
0x2c1: {  	[tilespmem:s25+$0x90] =	vst v0  }
0x2c2: {  	v0 =	vld [tilespmem:s0+$0xA0]  }
0x2c3: {  	v1 =	vmul.f32 $1.131370830e+01, v1  }
0x2c4: {  	v2 =	vmul.f32 $1.131370830e+01, v2  }
0x2c5: {  	v3 =	vmul.f32 $1.131370830e+01, v3;
	[tilespmem:s25+$0xFFFFFF10] =	vst v1  }
0x2c6: {  	[tilespmem:s25+$0xFFFFFF90] =	vst v2;
	v1 =	vld [tilespmem:s0+$0xFFFFFF20]  }
0x2c7: {  	[tilespmem:s25+$0x10] =	vst v3;
	v2 =	vld [tilespmem:s0+$0xFFFFFFA0];
	v0 =	vmul.f32 $1.131370830e+01, v0  }
0x2c8: {  	v3 =	vld [tilespmem:s0+$0x20]  }
0x2c9: {  	[tilespmem:s25+$0xA0] =	vst v0  }
0x2ca: {  	v0 =	vld [tilespmem:s0+$0xB0]  }
0x2cb: {  	v1 =	vmul.f32 $1.131370830e+01, v1  }
0x2cc: {  	v2 =	vmul.f32 $1.131370830e+01, v2  }
0x2cd: {  	v3 =	vmul.f32 $1.131370830e+01, v3;
	[tilespmem:s25+$0xFFFFFF20] =	vst v1  }
0x2ce: {  	[tilespmem:s25+$0xFFFFFFA0] =	vst v2;
	v1 =	vld [tilespmem:s0+$0xFFFFFF30]  }
0x2cf: {  	[tilespmem:s25+$0x20] =	vst v3;
	v2 =	vld [tilespmem:s0+$0xFFFFFFB0];
	v0 =	vmul.f32 $1.131370830e+01, v0  }
0x2d0: {  	s26 =	simm.s32 $0xA700;
	v3 =	vld [tilespmem:s0+$0x30]  }
0x2d1: {  	[tilespmem:s25+$0xB0] =	vst v0;
	v0 =	vld [tilespmem:s26+$0x80]  }
0x2d2: {  	v4 =	vld [tilespmem:s0+$0xC0]  }
0x2d3: {  	v5 =	vld [tilespmem:s26+$0xFFFFFF80];
	v1 =	vmul.f32 $1.131370830e+01, v1  }
0x2d4: {  	v6 =	vld [tilespmem:s26+$0x0];
	v2 =	vmul.f32 $1.131370830e+01, v2  }
0x2d5: {  	v3 =	vmul.f32 $1.131370830e+01, v3;
	[tilespmem:s25+$0xFFFFFF30] =	vst v1;
	v1 =	vld [tilespmem:s26+$0xFFFFFF00]  }
0x2d6: {  	[tilespmem:s25+$0xFFFFFFB0] =	vst v2;
	v2 =	vld [tilespmem:s0+$0xFFFFFF40];
	v0 =	vmul.f32 $1.131370830e+01, v0  }
0x2d7: {  	s28 =	simm.s32 $0x12700;
	[tilespmem:s25+$0x30] =	vst v3;
	v3 =	vld [tilespmem:s0+$0xFFFFFFC0];
	v4 =	vmul.f32 $1.131370830e+01, v4  }
0x2d8: {  	v5 =	vmul.f32 $1.131370830e+01, v5;
	[tilespmem:s28+$0x80] =	vst v0;
	v0 =	vld [tilespmem:s0+$0x40]  }
0x2d9: {  	v6 =	vmul.f32 $1.131370830e+01, v6;
	v7 =	vld [tilespmem:s26+$0x90];
	[tilespmem:s25+$0xC0] =	vst v4  }
0x2da: {  	[tilespmem:s28+$0xFFFFFF80] =	vst v5;
	v1 =	vmul.f32 $1.131370830e+01, v1;
	v4 =	vld [tilespmem:s0+$0xD0]  }
0x2db: {  	[tilespmem:s28+$0x0] =	vst v6;
	v5 =	vld [tilespmem:s26+$0xFFFFFF90];
	v2 =	vmul.f32 $1.131370830e+01, v2  }
0x2dc: {  	v3 =	vmul.f32 $1.131370830e+01, v3;
	[tilespmem:s28+$0xFFFFFF00] =	vst v1;
	v1 =	vld [tilespmem:s26+$0x10]  }
0x2dd: {  	v6 =	vld [tilespmem:s26+$0xFFFFFF10];
	[tilespmem:s25+$0xFFFFFF40] =	vst v2;
	v0 =	vmul.f32 $1.131370830e+01, v0  }
0x2de: {  	[tilespmem:s25+$0xFFFFFFC0] =	vst v3;
	v2 =	vmul.f32 $1.131370830e+01, v7;
	v7 =	vld [tilespmem:s0+$0xFFFFFF50]  }
0x2df: {  	v3 =	vld [tilespmem:s0+$0xFFFFFFD0];
	[tilespmem:s25+$0x40] =	vst v0;
	v0 =	vmul.f32 $1.131370830e+01, v4  }
0x2e0: {  	v4 =	vmul.f32 $1.131370830e+01, v5;
	[tilespmem:s28+$0x90] =	vst v2;
	v2 =	vld [tilespmem:s0+$0x50]  }
0x2e1: {  	v1 =	vmul.f32 $1.131370830e+01, v1;
	v5 =	vld [tilespmem:s26+$0xA0];
	[tilespmem:s25+$0xD0] =	vst v0  }
0x2e2: {  	v0 =	vmul.f32 $1.131370830e+01, v6;
	[tilespmem:s28+$0xFFFFFF90] =	vst v4;
	v4 =	vld [tilespmem:s0+$0xE0]  }
0x2e3: {  	[tilespmem:s28+$0x10] =	vst v1;
	v6 =	vld [tilespmem:s26+$0xFFFFFFA0];
	v1 =	vmul.f32 $1.131370830e+01, v7  }
0x2e4: {  	v3 =	vmul.f32 $1.131370830e+01, v3;
	[tilespmem:s28+$0xFFFFFF10] =	vst v0;
	v0 =	vld [tilespmem:s26+$0x20]  }
0x2e5: {  	v7 =	vld [tilespmem:s26+$0xFFFFFF20];
	[tilespmem:s25+$0xFFFFFF50] =	vst v1;
	v1 =	vmul.f32 $1.131370830e+01, v2  }
0x2e6: {  	[tilespmem:s25+$0xFFFFFFD0] =	vst v3;
	v2 =	vmul.f32 $1.131370830e+01, v5;
	v5 =	vld [tilespmem:s0+$0xFFFFFF60]  }
0x2e7: {  	v3 =	vld [tilespmem:s0+$0xFFFFFFE0];
	[tilespmem:s25+$0x50] =	vst v1;
	v1 =	vmul.f32 $1.131370830e+01, v4  }
0x2e8: {  	v4 =	vmul.f32 $1.131370830e+01, v6;
	[tilespmem:s28+$0xA0] =	vst v2;
	v2 =	vld [tilespmem:s0+$0x60]  }
0x2e9: {  	v0 =	vmul.f32 $1.131370830e+01, v0;
	v6 =	vld [tilespmem:s26+$0xB0];
	[tilespmem:s25+$0xE0] =	vst v1  }
0x2ea: {  	v1 =	vmul.f32 $1.131370830e+01, v7;
	[tilespmem:s28+$0xFFFFFFA0] =	vst v4;
	v7 =	vld [tilespmem:s0+$0xF0]  }
0x2eb: {  	v8 =	vld [tilespmem:s26+$0xFFFFFFB0];
	[tilespmem:s28+$0x20] =	vst v0;
	v0 =	vmul.f32 $1.131370830e+01, v5  }
0x2ec: {  	v3 =	vmul.f32 $1.131370830e+01, v3;
	[tilespmem:s28+$0xFFFFFF20] =	vst v1;
	v4 =	vld [tilespmem:s26+$0x30]  }
0x2ed: {  	v5 =	vld [tilespmem:s26+$0xFFFFFF30];
	[tilespmem:s25+$0xFFFFFF60] =	vst v0;
	v2 =	vmul.f32 $1.131370830e+01, v2  }
0x2ee: {  	[tilespmem:s25+$0xFFFFFFE0] =	vst v3;
	v9 =	vmul.f32 $1.131370830e+01, v6;
	v1 =	vld [tilespmem:s0+$0xFFFFFF70]  }
0x2ef: {  	v0 =	vld [tilespmem:s0+$0xFFFFFFF0];
	[tilespmem:s25+$0x60] =	vst v2;
	v3 =	vmul.f32 $1.131370830e+01, v7  }
0x2f0: {  	s29 =	simm.s32 $0x4;
	s1 =	simm.s32 $0xA900;
	v6 =	vmul.f32 $1.131370830e+01, v8;
	[tilespmem:s28+$0xB0] =	vst v9;
	v2 =	vld [tilespmem:s0+$0x70]  }
.LBB2_14:
0x2f1: {  	v7 =	vld [tilespmem:s1+$0x80];
	v4 =	vmul.f32 $1.131370830e+01, v4;
	[tilespmem:s25+$0xF0] =	vst v3  }
0x2f2: {  	s29 =	sadd.s32 $0x4, s29;
	v3 =	vmul.f32 $1.131370830e+01, v5;
	[tilespmem:s28+$0xFFFFFFB0] =	vst v6;
	v5 =	vld [tilespmem:s26+$0xC0]  }
0x2f3: {  	p0 =	slt.u32 s29, $0x7C;
	v6 =	vld [tilespmem:s1+$0xFFFFFF80];
	[tilespmem:s28+$0x30] =	vst v4;
	v1 =	vmul.f32 $1.131370830e+01, v1  }
0x2f4: {  	v4 =	vld [tilespmem:s1+$0x0];
	[tilespmem:s28+$0xFFFFFF30] =	vst v3;
	v0 =	vmul.f32 $1.131370830e+01, v0  }
0x2f5: {  	v3 =	vld [tilespmem:s1+$0xFFFFFF00];
	[tilespmem:s25+$0xFFFFFF70] =	vst v1;
	v1 =	vmul.f32 $1.131370830e+01, v2  }
0x2f6: {  	v2 =	vmul.f32 $1.131370830e+01, v7;
	v7 =	vld [tilespmem:s26+$0xFFFFFF40];
	[tilespmem:s25+$0xFFFFFFF0] =	vst v0  }
0x2f7: {  	v0 =	vld [tilespmem:s26+$0xFFFFFFC0];
	v5 =	vmul.f32 $1.131370830e+01, v5;
	[tilespmem:s25+$0x70] =	vst v1;
	s25 =	smov.u32 s28;
	s28 =	sadd.s32 $0x200, s28  }
0x2f8: {  	v1 =	vmul.f32 $1.131370830e+01, v6;
	[tilespmem:s28+$0x80] =	vst v2;
	v2 =	vld [tilespmem:s26+$0x40]  }
0x2f9: {  	v4 =	vmul.f32 $1.131370830e+01, v4;
	v6 =	vld [tilespmem:s1+$0x90];
	[tilespmem:s25+$0xC0] =	vst v5  }
0x2fa: {  	v3 =	vmul.f32 $1.131370830e+01, v3;
	[tilespmem:s28+$0xFFFFFF80] =	vst v1;
	v1 =	vld [tilespmem:s26+$0xD0]  }
0x2fb: {  	v5 =	vld [tilespmem:s1+$0xFFFFFF90];
	[tilespmem:s28+$0x0] =	vst v4;
	v4 =	vmul.f32 $1.131370830e+01, v7  }
0x2fc: {  	[tilespmem:s28+$0xFFFFFF00] =	vst v3;
	v3 =	vld [tilespmem:s1+$0x10];
	v0 =	vmul.f32 $1.131370830e+01, v0  }
0x2fd: {  	v7 =	vld [tilespmem:s1+$0xFFFFFF10];
	[tilespmem:s25+$0xFFFFFF40] =	vst v4;
	v2 =	vmul.f32 $1.131370830e+01, v2  }
0x2fe: {  	v4 =	vmul.f32 $1.131370830e+01, v6;
	v6 =	vld [tilespmem:s26+$0xFFFFFF50];
	[tilespmem:s25+$0xFFFFFFC0] =	vst v0  }
0x2ff: {  	v0 =	vld [tilespmem:s26+$0xFFFFFFD0];
	[tilespmem:s25+$0x40] =	vst v2;
	v1 =	vmul.f32 $1.131370830e+01, v1  }
0x300: {  	v2 =	vmul.f32 $1.131370830e+01, v5;
	[tilespmem:s28+$0x90] =	vst v4;
	v4 =	vld [tilespmem:s26+$0x50]  }
0x301: {  	v3 =	vmul.f32 $1.131370830e+01, v3;
	v5 =	vld [tilespmem:s1+$0xA0];
	[tilespmem:s25+$0xD0] =	vst v1  }
0x302: {  	v1 =	vmul.f32 $1.131370830e+01, v7;
	[tilespmem:s28+$0xFFFFFF90] =	vst v2;
	v2 =	vld [tilespmem:s26+$0xE0]  }
0x303: {  	v7 =	vld [tilespmem:s1+$0xFFFFFFA0];
	[tilespmem:s28+$0x10] =	vst v3;
	v3 =	vmul.f32 $1.131370830e+01, v6  }
0x304: {  	[tilespmem:s28+$0xFFFFFF10] =	vst v1;
	v1 =	vld [tilespmem:s1+$0x20];
	v0 =	vmul.f32 $1.131370830e+01, v0  }
0x305: {  	v6 =	vld [tilespmem:s1+$0xFFFFFF20];
	[tilespmem:s25+$0xFFFFFF50] =	vst v3;
	v3 =	vmul.f32 $1.131370830e+01, v4  }
0x306: {  	v4 =	vmul.f32 $1.131370830e+01, v5;
	v5 =	vld [tilespmem:s26+$0xFFFFFF60];
	[tilespmem:s25+$0xFFFFFFD0] =	vst v0  }
0x307: {  	v0 =	vld [tilespmem:s26+$0xFFFFFFE0];
	[tilespmem:s25+$0x50] =	vst v3;
	v2 =	vmul.f32 $1.131370830e+01, v2  }
0x308: {  	v3 =	vmul.f32 $1.131370830e+01, v7;
	[tilespmem:s28+$0xA0] =	vst v4;
	v7 =	vld [tilespmem:s26+$0x60]  }
0x309: {  	v1 =	vmul.f32 $1.131370830e+01, v1;
	v8 =	vld [tilespmem:s1+$0xB0];
	[tilespmem:s25+$0xE0] =	vst v2  }
0x30a: {  	v2 =	vmul.f32 $1.131370830e+01, v6;
	[tilespmem:s28+$0xFFFFFFA0] =	vst v3;
	v3 =	vld [tilespmem:s26+$0xF0]  }
0x30b: {  	v6 =	vld [tilespmem:s1+$0xFFFFFFB0];
	[tilespmem:s28+$0x20] =	vst v1;
	v1 =	vmul.f32 $1.131370830e+01, v5  }
.Ltmp6:
0x30c: {  	[tilespmem:s28+$0xFFFFFF20] =	vst v2;
	v4 =	vld [tilespmem:s1+$0x30];
	v0 =	vmul.f32 $1.131370830e+01, v0;
	(pc) =	sbr.rel @p0 .LBB2_14-.Ltmp6, $4  }
0x30d: {  	v5 =	vld [tilespmem:s1+$0xFFFFFF30];
	[tilespmem:s25+$0xFFFFFF60] =	vst v1;
	v2 =	vmul.f32 $1.131370830e+01, v7  }
0x30e: {  	v7 =	vmul.f32 $1.131370830e+01, v8;
	v1 =	vld [tilespmem:s26+$0xFFFFFF70];
	[tilespmem:s25+$0xFFFFFFE0] =	vst v0  }
0x30f: {  	v0 =	vld [tilespmem:s26+$0xFFFFFFF0];
	[tilespmem:s25+$0x60] =	vst v2;
	v3 =	vmul.f32 $1.131370830e+01, v3  }
0x310: {  	v6 =	vmul.f32 $1.131370830e+01, v6;
	[tilespmem:s28+$0xB0] =	vst v7;
	v2 =	vld [tilespmem:s26+$0x70];
	s26 =	smov.u32 s1;
	s1 =	sadd.s32 $0x200, s1  }
0x311: {  	v4 =	vmul.f32 $1.131370830e+01, v4  }
0x312: {  	v7 =	vld [tilespmem:s26+$0xC0];
	v5 =	vmul.f32 $1.131370830e+01, v5;
	[tilespmem:s28+$0xFFFFFFB0] =	vst v6  }
0x313: {  	[tilespmem:s28+$0x30] =	vst v4;
	v51 =	vld [tilespmem:s26+$0xFFFFFFC0]  }
0x314: {  	[tilespmem:s28+$0xFFFFFF30] =	vst v5;
	v52 =	vld [tilespmem:s26+$0x40]  }
0x315: {  	v5 =	vld [tilespmem:s26+$0xFFFFFF40];
	_ =	sdelay $0x1  }
0x316: {  	v7 =	vmul.f32 $1.131370830e+01, v7  }
0x317: {  	v4 =	vmul.f32 $1.131370830e+01, v51  }
0x318: {  	[tilespmem:s28+$0xC0] =	vst v7;
	v53 =	vmul.f32 $1.131370830e+01, v52  }
0x319: {  	v7 =	vld [tilespmem:s26+$0xD0];
	v5 =	vmul.f32 $1.131370830e+01, v5;
	[tilespmem:s28+$0xFFFFFFC0] =	vst v4  }
0x31a: {  	v4 =	vld [tilespmem:s26+$0xFFFFFFD0];
	[tilespmem:s28+$0x40] =	vst v53  }
0x31b: {  	[tilespmem:s28+$0xFFFFFF40] =	vst v5;
	v5 =	vld [tilespmem:s26+$0x50]  }
0x31c: {  	v54 =	vld [tilespmem:s26+$0xFFFFFF50];
	_ =	sdelay $0x1  }
0x31d: {  	v7 =	vmul.f32 $1.131370830e+01, v7  }
0x31e: {  	v4 =	vmul.f32 $1.131370830e+01, v4  }
0x31f: {  	[tilespmem:s28+$0xD0] =	vst v7;
	v5 =	vmul.f32 $1.131370830e+01, v5  }
0x320: {  	v7 =	vld [tilespmem:s26+$0xE0];
	v6 =	vmul.f32 $1.131370830e+01, v54;
	[tilespmem:s28+$0xFFFFFFD0] =	vst v4  }
0x321: {  	v4 =	vld [tilespmem:s26+$0xFFFFFFE0];
	[tilespmem:s28+$0x50] =	vst v5  }
0x322: {  	[tilespmem:s28+$0xFFFFFF50] =	vst v6;
	v5 =	vld [tilespmem:s26+$0x60]  }
0x323: {  	v6 =	vld [tilespmem:s26+$0xFFFFFF60];
	_ =	sdelay $0x1  }
0x324: {  	v7 =	vmul.f32 $1.131370830e+01, v7  }
0x325: {  	v4 =	vmul.f32 $1.131370830e+01, v4  }
0x326: {  	[tilespmem:s28+$0xE0] =	vst v7;
	v5 =	vmul.f32 $1.131370830e+01, v5  }
0x327: {  	v55 =	vld [tilespmem:s26+$0xF0];
	v6 =	vmul.f32 $1.131370830e+01, v6;
	[tilespmem:s28+$0xFFFFFFE0] =	vst v4  }
0x328: {  	[tilespmem:s28+$0x60] =	vst v5;
	v57 =	vld [tilespmem:s26+$0xFFFFFFF0]  }
0x329: {  	v1 =	vmul.f32 $1.131370830e+01, v1;
	[tilespmem:s28+$0xFFFFFF60] =	vst v6;
	v58 =	vld [tilespmem:s26+$0x70]  }
0x32a: {  	[tilespmem:s25+$0xF0] =	vst v3;
	v0 =	vmul.f32 $1.131370830e+01, v0;
	v56 =	vld [tilespmem:s26+$0xFFFFFF70]  }
0x32b: {  	[tilespmem:s25+$0xFFFFFF70] =	vst v1;
	v59 =	vmul.f32 $1.131370830e+01, v2  }
0x32c: {  	[tilespmem:s25+$0xFFFFFFF0] =	vst v0;
	v60 =	vmul.f32 $1.131370830e+01, v55  }
0x32d: {  	[tilespmem:s25+$0x70] =	vst v59;
	v62 =	vmul.f32 $1.131370830e+01, v57  }
0x32e: {  	[tilespmem:s28+$0xF0] =	vst v60;
	v63 =	vmul.f32 $1.131370830e+01, v58  }
0x32f: {  	v61 =	vmul.f32 $1.131370830e+01, v56;
	[tilespmem:s28+$0xFFFFFFF0] =	vst v62  }
0x330: {  	[tilespmem:s28+$0x70] =	vst v63  }
0x331: {  	s24 =	sadd.s32 $0x1, s24;
	[tilespmem:s28+$0xFFFFFF70] =	vst v61  }
0x332: {  	[hbm4b:s10+s4] =	stream.linear.scatter [tilespmem:s20], [sflag:$0x4], $0x4000, $0x38;
	[tilespmem:$0x16400] =	vst v63  }
0x333: {  	p0 =	sne.s32 s24, s11;
	_ =	swait.ge [sflag:s22], $0x4000  }
.Ltmp7:
0x334: {  	[sflag:s22] =	ssyncset.done $0x0;
	(pc) =	sbr.rel @p0 .LBB2_1-.Ltmp7, $4  }
0x335: {  	[sflag:s22] =	ssyncadd.s32 $0xFFFFC000  }
0x336: {  	_ =	swait.ge [sflag:s23], $0x4000  }
0x337: {  	[sflag:s23] =	ssyncset.done $0x0  }
0x338: {  	[sflag:s23] =	ssyncadd.s32 $0xFFFFC000  }
0x339: {  	_ =	sfence.sel $0x180000  }
0x33a: {  	[bflag:$0x0] =	sbarrier.arrive $0xFFFF  }
0x33b: {  	_ =	strace $0x90000047  }
0x33c: {  	s0 =	stileid.u32;
	[bflag:$0x2] =	sbarrier.arrive $0xFFFF  }
0x33d: {  	p0 =	sne.s32 s0, $0x0;
	s0 =	rddreg [dreg:$0x3]  }
0x33e: {  	s0 =	sadd.s32 @!p0 $0x100000, s0  }
0x33f: {  	[sflag:s0] =	ssyncadd.tile.s32 @!p0 $0x1;
	_ =	shalt  }
.Lfunc_end2:
_tile_overlayer_lowered:
.L_overlay_start_2:
0x340: {  	(tag) =	ssettag $0x2  }
0x341: {  	s0 =	rddreg [dreg:$0x0];
	s2 =	stileid.u32  }
0x342: {  	s1 =	rddreg [dreg:$0x1];
	p0 =	sne.s32 s2, $0x0  }
0x343: {  	s3 =	rddreg [dreg:$0x2];
	[bflag:$0x3] =	sbarrier.arrive $0xFFFF;
	s2 =	simm.s32 @!p0 $0x1C05  }
0x344: {  	[timem:s3], [sflag:s2] =	dma.local @!p0 [hbm:s0], s1  }
0x345: {  	s0 =	simm.s32 @!p0 $0x5  }
0x346: {  	_ =	swait.ge @!p0 [sflag:s0], s1  }
0x347: {  	s1 =	ssub.s32 @!p0 $0x0, s1;
	[sflag:s0] =	ssyncset.done @!p0 $0x0  }
0x348: {  	[sflag:s0] =	ssyncadd.s32 @!p0 s1  }
0x349: {  	[bflag:$0x3] =	sbarrier.arrive $0xFFFF  }
0x34a: {  	_ =	shalt  }

</sc_bundles>
